<compile_context>
chip_gen: v7x
topology: tpu7x:2x2x1
jax: 0.10.2.dev20260603
libtpu: 0.0.44.dev20260713+nightly
codegen_flags: <defaults>
</compile_context>

<pallas_src>
import functools

import jax
import jax.numpy as jnp
from jax import lax
from jax.experimental import pallas as pl
from jax.experimental.pallas import tpu as pltpu
from jax.experimental.pallas import tpu_sc as plsc

S, D, NF, E, K, H = 2048, 1024, 8, 8, 2, 1024
NS = 3
EPS = 1e-05
TT = 256
NTILES = 24
NT_TOT = NTILES * TT
NPAIR = S * K
RT = S // TT
NC = 2
NW = 32
CHUNK = 128
ITERS = NPAIR // (NW * CHUNK)
LANES = 128
SL = (D // 2) // LANES


def _router_body(h_ref, a0_ref, a1_ref, gp_ref, feat_ref, lng_ref, lnb_ref,
                 wr_ref, br_ref,
                 hout_ref, hn_ref, dst_ref, eid_ref, g_ref,
                 cum1_scr, cum2_scr, o1_scr, o2_scr, c1c_scr, c2c_scr):
    i = pl.program_id(0)

    @pl.when(i == 0)
    def _init():
        c1c_scr[...] = jnp.zeros((1, E), jnp.float32)
        c2c_scr[...] = jnp.zeros((1, E), jnp.float32)

    @pl.when(i < RT)
    def _tile():
        rows = pl.ds(i * TT, TT)
        h = (h_ref[...]
             + gp_ref[:, 0:1] * a0_ref[...].astype(jnp.float32)
             + gp_ref[:, 1:2] * a1_ref[...].astype(jnp.float32))
        hout_ref[...] = h
        mu = jnp.mean(h, axis=1, keepdims=True)
        var = jnp.mean((h - mu) ** 2, axis=1, keepdims=True)
        hn = (h - mu) / jnp.sqrt(var + EPS) * lng_ref[0, :] + lnb_ref[0, :]
        hnh = hn.astype(jnp.bfloat16)
        hn_ref[...] = hnh

        logits = (jnp.dot(hnh, wr_ref[:D, :].astype(jnp.bfloat16),
                          preferred_element_type=jnp.float32)
                  + jnp.dot(feat_ref[...].astype(jnp.bfloat16),
                            wr_ref[D:, :].astype(jnp.bfloat16),
                            preferred_element_type=jnp.float32)
                  + br_ref[0, :])
        m = jnp.max(logits, axis=1, keepdims=True)
        ex = jnp.exp(logits - m)
        probs = ex / jnp.sum(ex, axis=1, keepdims=True)

        idx = lax.broadcasted_iota(jnp.int32, (TT, E), 1)
        m1 = jnp.max(probs, axis=1, keepdims=True)
        i1 = jnp.min(jnp.where(probs == m1, idx, E), axis=1, keepdims=True)
        o1 = (idx == i1).astype(jnp.float32)
        probs2 = jnp.where(idx == i1, -1.0, probs)
        m2 = jnp.max(probs2, axis=1, keepdims=True)
        i2 = jnp.min(jnp.where(probs2 == m2, idx, E), axis=1, keepdims=True)
        o2 = (idx == i2).astype(jnp.float32)
        denom = m1 + m2 + 1e-9
        g_ref[...] = jnp.concatenate([m1 / denom, m2 / denom], axis=1)

        o1_scr[rows, :] = o1
        o2_scr[rows, :] = o2
        c1 = o1
        c2 = o2
        for sh in (1, 2, 4, 8, 16, 32, 64, 128):
            z = jnp.zeros((sh, E), jnp.float32)
            c1 = c1 + jnp.concatenate([z, c1[:TT - sh, :]], axis=0)
            c2 = c2 + jnp.concatenate([z, c2[:TT - sh, :]], axis=0)
        c1 = c1 + c1c_scr[...]
        c2 = c2 + c2c_scr[...]
        cum1_scr[rows, :] = c1
        cum2_scr[rows, :] = c2
        c1c_scr[...] = c1[TT - 1:TT, :]
        c2c_scr[...] = c2[TT - 1:TT, :]

    @pl.when(i == RT)
    def _meta():
        c1 = c1c_scr[...]
        cnt = (c1 + c2c_scr[...]).astype(jnp.int32)
        nt = (cnt + (TT - 1)) // TT
        t = nt
        for sh in (1, 2, 4):
            z = jnp.zeros((1, sh), jnp.int32)
            t = t + jnp.concatenate([z, t[:, :E - sh]], axis=1)
        start = t - nt

        jrow = lax.broadcasted_iota(jnp.int32, (NTILES, E), 0)
        ind = (jnp.broadcast_to(start, (NTILES, E)) <= jrow).astype(jnp.int32)
        eid_ref[...] = jnp.sum(ind, axis=1, keepdims=True) - 1

        startf = jnp.broadcast_to(start.astype(jnp.float32) * TT, (S, E))
        c1f = jnp.broadcast_to(c1, (S, E))
        o1 = o1_scr[...]
        o2 = o2_scr[...]
        dst0 = (jnp.sum(o1 * startf, axis=1, keepdims=True)
                + jnp.sum(o1 * cum1_scr[...], axis=1, keepdims=True) - 1.0)
        dst1 = (jnp.sum(o2 * startf, axis=1, keepdims=True)
                + jnp.sum(o2 * c1f, axis=1, keepdims=True)
                + jnp.sum(o2 * cum2_scr[...], axis=1, keepdims=True) - 1.0)
        dst_ref[...] = jnp.concatenate([dst0, dst1], axis=1).astype(jnp.int32)


def _run_router(h, a, gp, feat, lng, lnb, wr, br):
    ri = lambda i: (jnp.minimum(i, RT - 1), 0)
    return pl.pallas_call(
        _router_body,
        grid=(RT + 1,),
        in_specs=[
            pl.BlockSpec((TT, D), ri),
            pl.BlockSpec((TT, D), lambda i: (jnp.minimum(i, RT - 1), 0)),
            pl.BlockSpec((TT, D), lambda i: (jnp.minimum(i, RT - 1) + RT, 0)),
            pl.BlockSpec((TT, K), ri),
            pl.BlockSpec((TT, NF), ri),
            pl.BlockSpec((1, D), lambda i: (0, 0)),
            pl.BlockSpec((1, D), lambda i: (0, 0)),
            pl.BlockSpec((D + NF, E), lambda i: (0, 0)),
            pl.BlockSpec((1, E), lambda i: (0, 0)),
        ],
        out_specs=[
            pl.BlockSpec((TT, D), ri),
            pl.BlockSpec((TT, D), ri),
            pl.BlockSpec((S, K), lambda i: (0, 0)),
            pl.BlockSpec((NTILES, 1), lambda i: (0, 0)),
            pl.BlockSpec((TT, K), ri),
        ],
        out_shape=[
            jax.ShapeDtypeStruct((S, D), jnp.float32),
            jax.ShapeDtypeStruct((S, D), jnp.bfloat16),
            jax.ShapeDtypeStruct((S, K), jnp.int32),
            jax.ShapeDtypeStruct((NTILES, 1), jnp.int32),
            jax.ShapeDtypeStruct((S, K), jnp.float32),
        ],
        scratch_shapes=[
            pltpu.VMEM((S, E), jnp.float32),
            pltpu.VMEM((S, E), jnp.float32),
            pltpu.VMEM((S, E), jnp.float32),
            pltpu.VMEM((S, E), jnp.float32),
            pltpu.VMEM((1, E), jnp.float32),
            pltpu.VMEM((1, E), jnp.float32),
        ],
        compiler_params=pltpu.CompilerParams(
            dimension_semantics=("arbitrary",),
        ),
    )(h, a, a, gp, feat, lng, lnb, wr, br)


def _scatter_body(hn_ref, dst_ref, xs_ref, idx_v, rows_v, sem):
    wid = lax.axis_index("s") * 2 + lax.axis_index("c")
    for it in range(ITERS):
        p0 = wid * (ITERS * CHUNK) + it * CHUNK
        t0 = lax.rem(p0, S)
        pltpu.sync_copy(dst_ref.at[wid, it], idx_v)
        pltpu.sync_copy(hn_ref.at[pl.ds(t0, CHUNK)], rows_v)
        pltpu.async_copy(rows_v, xs_ref.at[idx_v], sem).wait()


def _sc_scatter(hn3, dst_sc):
    call = functools.partial(
        pl.kernel,
        mesh=plsc.VectorSubcoreMesh(core_axis_name="c", subcore_axis_name="s",
                                    num_cores=2),
        out_type=jax.ShapeDtypeStruct((NT_TOT, SL, LANES), jnp.int32),
        scratch_types=[
            pltpu.VMEM((CHUNK,), jnp.int32),
            pltpu.VMEM((CHUNK, SL, LANES), jnp.int32),
            pltpu.SemaphoreType.DMA,
        ],
    )(_scatter_body)
    return call(hn3, dst_sc)


def _gather_body(ys_ref, dst_ref, a_ref, idx_v, rows_v, sem):
    wid = lax.axis_index("s") * 2 + lax.axis_index("c")
    for it in range(ITERS):
        p0 = wid * (ITERS * CHUNK) + it * CHUNK
        pltpu.sync_copy(dst_ref.at[wid, it], idx_v)
        pltpu.async_copy(ys_ref.at[idx_v], rows_v, sem).wait()
        pltpu.sync_copy(rows_v, a_ref.at[pl.ds(p0, CHUNK)])


def _sc_gather(ys3, dst_sc):
    call = functools.partial(
        pl.kernel,
        mesh=plsc.VectorSubcoreMesh(core_axis_name="c", subcore_axis_name="s",
                                    num_cores=2),
        out_type=jax.ShapeDtypeStruct((NPAIR, SL, LANES), jnp.int32),
        scratch_types=[
            pltpu.VMEM((CHUNK,), jnp.int32),
            pltpu.VMEM((CHUNK, SL, LANES), jnp.int32),
            pltpu.SemaphoreType.DMA,
        ],
    )(_gather_body)
    return call(ys3, dst_sc)


def _gemm_body(eid_ref, xs_ref, w1_ref, b1_ref, w2_ref, b2_ref, ys_ref):
    x = xs_ref[...]
    a1 = jnp.dot(x, w1_ref[0], preferred_element_type=jnp.float32) + b1_ref[0]
    eh = jax.nn.gelu(a1)
    eo = (jnp.dot(eh.astype(jnp.bfloat16), w2_ref[0],
                  preferred_element_type=jnp.float32) + b2_ref[0])
    ys_ref[...] = eo.astype(jnp.bfloat16)


def _run_gemm(eid, xs, w1, b1, w2, b2):
    tpc = NTILES // NC
    return pl.pallas_call(
        _gemm_body,
        grid_spec=pltpu.PrefetchScalarGridSpec(
            num_scalar_prefetch=1,
            grid=(NC, tpc),
            in_specs=[
                pl.BlockSpec((TT, D), lambda c, j, e_ref: (c * tpc + j, 0)),
                pl.BlockSpec((1, D, H),
                             lambda c, j, e_ref: (e_ref[c * tpc + j], 0, 0)),
                pl.BlockSpec((1, 1, H),
                             lambda c, j, e_ref: (e_ref[c * tpc + j], 0, 0)),
                pl.BlockSpec((1, H, D),
                             lambda c, j, e_ref: (e_ref[c * tpc + j], 0, 0)),
                pl.BlockSpec((1, 1, D),
                             lambda c, j, e_ref: (e_ref[c * tpc + j], 0, 0)),
            ],
            out_specs=pl.BlockSpec((TT, D), lambda c, j, e_ref: (c * tpc + j, 0)),
        ),
        out_shape=jax.ShapeDtypeStruct((NT_TOT, D), jnp.bfloat16),
        compiler_params=pltpu.CompilerParams(
            dimension_semantics=("parallel", "arbitrary"),
        ),
    )(eid, xs, w1, b1, w2, b2)


def _final_body(h_ref, a0_ref, a1_ref, g_ref, out_ref):
    out_ref[...] = (h_ref[...]
                    + g_ref[:, 0:1] * a0_ref[...].astype(jnp.float32)
                    + g_ref[:, 1:2] * a1_ref[...].astype(jnp.float32))


def _run_final(h, a, g):
    return pl.pallas_call(
        _final_body,
        grid=(RT,),
        in_specs=[
            pl.BlockSpec((TT, D), lambda i: (i, 0)),
            pl.BlockSpec((TT, D), lambda i: (i, 0)),
            pl.BlockSpec((TT, D), lambda i: (i + RT, 0)),
            pl.BlockSpec((TT, K), lambda i: (i, 0)),
        ],
        out_specs=pl.BlockSpec((TT, D), lambda i: (i, 0)),
        out_shape=jax.ShapeDtypeStruct((S, D), jnp.float32),
    )(h, a, a, g)


def _as_i32(rows):
    n = rows.shape[0]
    return lax.bitcast_convert_type(
        rows.reshape(n, D // 2, 2), jnp.int32).reshape(n, SL, LANES)


def _as_bf16(rows3):
    n = rows3.shape[0]
    return lax.bitcast_convert_type(
        rows3.reshape(n, D // 2), jnp.bfloat16).reshape(n, D)


def _dispatch(hn, dst_sc):
    return _as_bf16(_sc_scatter(_as_i32(hn), dst_sc))


def _combine(ys, dst_sc):
    return _as_bf16(_sc_gather(_as_i32(ys), dst_sc))


def kernel(hidden, feat,
           ln_g0, ln_b0, Wr0, br0, W1_0, b1_0, W2_0, b2_0,
           ln_g1, ln_b1, Wr1, br1, W1_1, b1_1, W2_1, b2_1,
           ln_g2, ln_b2, Wr2, br2, W1_2, b1_2, W2_2, b2_2):
    stage_params = [
        (ln_g0, ln_b0, Wr0, br0, W1_0, b1_0, W2_0, b2_0),
        (ln_g1, ln_b1, Wr1, br1, W1_1, b1_1, W2_1, b2_1),
        (ln_g2, ln_b2, Wr2, br2, W1_2, b1_2, W2_2, b2_2),
    ]
    h = hidden.reshape(S, D)
    ft = feat.reshape(S, NF)
    a = jnp.zeros((NPAIR, D), jnp.bfloat16)
    g = jnp.zeros((S, K), jnp.float32)
    for lng, lnb, wr, br, w1, b1, w2, b2 in stage_params:
        h, hn, dst, eid, g = _run_router(
            h, a, g, ft, lng.reshape(1, D), lnb.reshape(1, D), wr,
            br.reshape(1, E))
        dst_sc = dst.T.reshape(NW, ITERS, CHUNK)
        xs = _dispatch(hn, dst_sc)
        ys = _run_gemm(eid.reshape(NTILES), xs,
                       w1.astype(jnp.bfloat16), b1.reshape(E, 1, H),
                       w2.astype(jnp.bfloat16), b2.reshape(E, 1, D))
        a = _combine(ys, dst_sc)
    out = _run_final(h, a, g)
    return out.reshape(hidden.shape)

# --- scband reference (transcript-rebuilt; emitter-appended) ---
"""Pipeline reference for scband-stage-executor-n3-85641647882680 (READ-ONLY COPY).

The authoritative reference and input builder live on the scoring server;
editing this copy changes nothing except your own understanding.
"""

import jax, jax.numpy as jnp
import numpy as np

B, S, D, NF, E, K, H = 1, 2048, 1024, 8, 8, 2, 1024
EPS = 1e-05
N_STAGES = 3


def _layer_norm(x, g, b):
    mu = jnp.mean(x, axis=-1, keepdims=True)
    var = jnp.mean((x - mu) ** 2, axis=-1, keepdims=True)
    return (x - mu) / jnp.sqrt(var + EPS) * g + b


def _stage(h, feat, ln_g, ln_b, Wr, br, W1, b1, W2, b2):
    # pre-norm hidden state
    hn = _layer_norm(h, ln_g, ln_b)
    # router sees both hidden state and per-token stage features (router_source='both')
    router_in = jnp.concatenate([hn, feat], axis=-1)
    logits = router_in @ Wr + br  # [B, S, E]
    probs = jax.nn.softmax(logits, axis=-1)
    topv, topi = jax.lax.top_k(probs, K)
    topv = topv / (jnp.sum(topv, axis=-1, keepdims=True) + 1e-9)
    # combine weights: zeros except at top-k expert slots
    combine = jnp.sum(jax.nn.one_hot(topi, E, dtype=h.dtype) * topv[..., None], axis=-2)  # [B, S, E]
    # dense per-expert FFN (depth-1 expert MLP with gelu), weighted by combine gates
    eh = jax.nn.gelu(jnp.einsum('bsd,edh->bseh', hn, W1) + b1)
    eo = jnp.einsum('bseh,ehd->bsed', eh, W2) + b2
    moe = jnp.einsum('bsed,bse->bsd', eo, combine)
    # residual (stage_residual_mode='base')
    return h + moe


def setup_inputs(seed: int = 0) -> dict:
    key = jax.random.key(seed)
    inp = {}
    inp['hidden'] = jax.random.normal(jax.random.fold_in(key, 0), (B, S, D), jnp.float32)
    inp['feat'] = jax.random.normal(jax.random.fold_in(key, 1), (B, S, NF), jnp.float32)
    for s in range(N_STAGES):
        inp[f'ln_g{s}'] = jnp.ones((D,), jnp.float32)
        inp[f'ln_b{s}'] = jnp.zeros((D,), jnp.float32)
        inp[f'Wr{s}'] = jax.random.normal(jax.random.fold_in(key, 10 + s), (D + NF, E), jnp.float32) * 0.02
        inp[f'br{s}'] = jnp.zeros((E,), jnp.float32)
        inp[f'W1_{s}'] = jax.random.normal(jax.random.fold_in(key, 20 + s), (E, D, H), jnp.float32) * 0.02
        inp[f'b1_{s}'] = jnp.zeros((E, H), jnp.float32)
        inp[f'W2_{s}'] = jax.random.normal(jax.random.fold_in(key, 30 + s), (E, H, D), jnp.float32) * 0.02
        inp[f'b2_{s}'] = jnp.zeros((E, D), jnp.float32)
    return inp


def reference(hidden, feat,
              ln_g0, ln_b0, Wr0, br0, W1_0, b1_0, W2_0, b2_0,
              ln_g1, ln_b1, Wr1, br1, W1_1, b1_1, W2_1, b2_1,
              ln_g2, ln_b2, Wr2, br2, W1_2, b1_2, W2_2, b2_2):
    # layer_layout = ['macro', 'mid', 'micro'] executed left-to-right
    stage_params = [
        (ln_g0, ln_b0, Wr0, br0, W1_0, b1_0, W2_0, b2_0),
        (ln_g1, ln_b1, Wr1, br1, W1_1, b1_1, W2_1, b2_1),
        (ln_g2, ln_b2, Wr2, br2, W1_2, b1_2, W2_2, b2_2),
    ]
    h = hidden
    for p in stage_params:
        h = _stage(h, feat, *p)
    return h

if __name__ == "__main__":
    import jax
    _d = setup_inputs()
    print(jax.jit(kernel)(*tuple(_d.values())))

</pallas_src>

<mosaic_0001>
#map = affine_map<(d0, d1) -> (0, 0, 0)>
module attributes {stable_mosaic.version = 14 : i64} {
  func.func @_gather_body(%arg0: i32, %arg1: i32, %arg2: memref<6144x4x128xi32, #tpu.memory_space<hbm>>, %arg3: memref<32x1x128xi32, #tpu.memory_space<hbm>>, %arg4: memref<4096x4x128xi32, #tpu.memory_space<hbm>>, %arg5: memref<128xi32, #tpu.memory_space<vmem>>, %arg6: memref<128x4x128xi32, #tpu.memory_space<vmem>>, %arg7: memref<!tpu.dma_semaphore, #tpu.memory_space<semaphore_mem>>) attributes {dimension_semantics = [#tpu.dimension_semantics<core_parallel>, #tpu.dimension_semantics<subcore_parallel>], iteration_bounds = array<i64: 2, 16>, scalar_prefetch = 0 : i64, scratch_operands = 3 : i64, tpu.core_type = #tpu.core_type<sc_vector_subcore>, window_params = [{transform_indices = #map}, {transform_indices = #map}, {transform_indices = #map}]} {
    %mul3A = arith.constant 2 : i32
    %mul3A_0 = arith.muli %arg1, %mul3A : i32
    %add3A = arith.addi %mul3A_0, %arg0 : i32
    %mul3A_1 = arith.constant 128 : i32
    %mul3A_2 = arith.muli %add3A, %mul3A_1 : i32
    %add3A_3 = arith.constant 0 : i32
    %add3A_4 = arith.addi %mul3A_2, %add3A_3 : i32
    %run_scoped3A = arith.constant 0 : i32
    "tpu.region"() ({
      %run_scoped3A_11 = tpu.sem_alloc : memref<!tpu.dma_semaphore, #tpu.memory_space<semaphore_mem>>
      %dma_start3A_12 = arith.constant 0 : i32
      %dma_start3A_13 = tpu.memref_slice %arg3[%add3A, %run_scoped3A, %dma_start3A_12] : memref<32x1x128xi32, #tpu.memory_space<hbm>> -> memref<1x1x128xi32, #tpu.memory_space<hbm>>
      %dma_start3A_14 = tpu.memref_squeeze %dma_start3A_13 : memref<1x1x128xi32, #tpu.memory_space<hbm>> -> memref<128xi32, #tpu.memory_space<hbm>>
      %dma_start3A_15 = arith.constant 0 : i32
      %dma_start3A_16 = tpu.memref_slice %arg3[%add3A, %run_scoped3A, %dma_start3A_15] : memref<32x1x128xi32, #tpu.memory_space<hbm>> -> memref<1x1x128xi32, #tpu.memory_space<hbm>>
      %dma_start3A_17 = tpu.memref_squeeze %dma_start3A_16 : memref<1x1x128xi32, #tpu.memory_space<hbm>> -> memref<128xi32, #tpu.memory_space<hbm>>
      tpu.enqueue_dma source(%dma_start3A_17 : memref<128xi32, #tpu.memory_space<hbm>>) target(%arg5 : memref<128xi32, #tpu.memory_space<vmem>>) target_semaphore(%run_scoped3A_11 : memref<!tpu.dma_semaphore, #tpu.memory_space<semaphore_mem>>)
      %dma_wait3A_18 = arith.constant 0 : i32
      %dma_wait3A_19 = tpu.memref_slice %arg3[%add3A, %run_scoped3A, %dma_wait3A_18] : memref<32x1x128xi32, #tpu.memory_space<hbm>> -> memref<1x1x128xi32, #tpu.memory_space<hbm>>
      %dma_wait3A_20 = tpu.memref_squeeze %dma_wait3A_19 : memref<1x1x128xi32, #tpu.memory_space<hbm>> -> memref<128xi32, #tpu.memory_space<hbm>>
      %dma_wait3A_21 = arith.constant 0 : i32
      %dma_wait3A_22 = tpu.memref_slice %arg3[%add3A, %run_scoped3A, %dma_wait3A_21] : memref<32x1x128xi32, #tpu.memory_space<hbm>> -> memref<1x1x128xi32, #tpu.memory_space<hbm>>
      %dma_wait3A_23 = tpu.memref_squeeze %dma_wait3A_22 : memref<1x1x128xi32, #tpu.memory_space<hbm>> -> memref<128xi32, #tpu.memory_space<hbm>>
      tpu.wait_dma2 semaphore(%run_scoped3A_11 : memref<!tpu.dma_semaphore, #tpu.memory_space<semaphore_mem>>) src(%dma_wait3A_23 : memref<128xi32, #tpu.memory_space<hbm>>) dst(%arg5 : memref<128xi32, #tpu.memory_space<vmem>>)
      tpu.yield
    }) : () -> ()
    %dma_start3A = arith.constant 0 : i32
    %dma_start3A_5 = arith.constant 0 : i32
    %dma_start3A_6 = arith.constant 0 : i32
    %dma_start3A_7 = tpu.memref_slice %arg2[%dma_start3A, %dma_start3A_5, %dma_start3A_6] : memref<6144x4x128xi32, #tpu.memory_space<hbm>> -> memref<6144x4x128xi32, #tpu.memory_space<hbm>>
    tpu.enqueue_indirect_dma source(%dma_start3A_7 : memref<6144x4x128xi32, #tpu.memory_space<hbm>>) target(%arg6 : memref<128x4x128xi32, #tpu.memory_space<vmem>>) offsets(%arg5 : memref<128xi32, #tpu.memory_space<vmem>>) semaphore(%arg7 : memref<!tpu.dma_semaphore, #tpu.memory_space<semaphore_mem>>)
    %dma_wait3A = arith.constant 0 : i32
    %dma_wait3A_8 = arith.constant 0 : i32
    %dma_wait3A_9 = arith.constant 0 : i32
    %dma_wait3A_10 = tpu.memref_slice %arg2[%dma_wait3A, %dma_wait3A_8, %dma_wait3A_9] : memref<6144x4x128xi32, #tpu.memory_space<hbm>> -> memref<6144x4x128xi32, #tpu.memory_space<hbm>>
    tpu.wait_indirect_dma semaphore(%arg7 : memref<!tpu.dma_semaphore, #tpu.memory_space<semaphore_mem>>) src(%dma_wait3A_10 : memref<6144x4x128xi32, #tpu.memory_space<hbm>>) dst(%arg6 : memref<128x4x128xi32, #tpu.memory_space<vmem>>)
    "tpu.region"() ({
      %run_scoped3A_11 = tpu.sem_alloc : memref<!tpu.dma_semaphore, #tpu.memory_space<semaphore_mem>>
      %dma_start3A_12 = arith.constant 0 : i32
      %dma_start3A_13 = arith.constant 0 : i32
      %dma_start3A_14 = tpu.memref_slice %arg4[%add3A_4, %dma_start3A_12, %dma_start3A_13] : memref<4096x4x128xi32, #tpu.memory_space<hbm>> -> memref<128x4x128xi32, #tpu.memory_space<hbm>>
      %dma_start3A_15 = arith.constant 0 : i32
      %dma_start3A_16 = arith.constant 0 : i32
      %dma_start3A_17 = tpu.memref_slice %arg4[%add3A_4, %dma_start3A_15, %dma_start3A_16] : memref<4096x4x128xi32, #tpu.memory_space<hbm>> -> memref<128x4x128xi32, #tpu.memory_space<hbm>>
      tpu.enqueue_dma source(%arg6 : memref<128x4x128xi32, #tpu.memory_space<vmem>>) target(%dma_start3A_17 : memref<128x4x128xi32, #tpu.memory_space<hbm>>) target_semaphore(%run_scoped3A_11 : memref<!tpu.dma_semaphore, #tpu.memory_space<semaphore_mem>>)
      %dma_wait3A_18 = arith.constant 0 : i32
      %dma_wait3A_19 = arith.constant 0 : i32
      %dma_wait3A_20 = tpu.memref_slice %arg4[%add3A_4, %dma_wait3A_18, %dma_wait3A_19] : memref<4096x4x128xi32, #tpu.memory_space<hbm>> -> memref<128x4x128xi32, #tpu.memory_space<hbm>>
      %dma_wait3A_21 = arith.constant 0 : i32
      %dma_wait3A_22 = arith.constant 0 : i32
      %dma_wait3A_23 = tpu.memref_slice %arg4[%add3A_4, %dma_wait3A_21, %dma_wait3A_22] : memref<4096x4x128xi32, #tpu.memory_space<hbm>> -> memref<128x4x128xi32, #tpu.memory_space<hbm>>
      tpu.wait_dma2 semaphore(%run_scoped3A_11 : memref<!tpu.dma_semaphore, #tpu.memory_space<semaphore_mem>>) src(%arg6 : memref<128x4x128xi32, #tpu.memory_space<vmem>>) dst(%dma_wait3A_23 : memref<128x4x128xi32, #tpu.memory_space<hbm>>)
      tpu.yield
    }) : () -> ()
    return
  }
}

#map = affine_map<(d0, d1) -> (0, 0, 0)>
module attributes {stable_mosaic.version = 14 : i64} {
  func.func @_gather_body(%arg0: i32, %arg1: i32, %arg2: memref<6144x4x128xi32, #tpu.memory_space<hbm>>, %arg3: memref<32x1x128xi32, #tpu.memory_space<hbm>>, %arg4: memref<4096x4x128xi32, #tpu.memory_space<hbm>>, %arg5: memref<128xi32, #tpu.memory_space<vmem>>, %arg6: memref<128x4x128xi32, #tpu.memory_space<vmem>>, %arg7: memref<!tpu.dma_semaphore, #tpu.memory_space<semaphore_mem>>) attributes {dimension_semantics = [#tpu.dimension_semantics<core_parallel>, #tpu.dimension_semantics<subcore_parallel>], iteration_bounds = array<i64: 2, 16>, scalar_prefetch = 0 : i64, scratch_operands = 3 : i64, tpu.core_type = #tpu.core_type<sc_vector_subcore>, window_params = [{transform_indices = #map}, {transform_indices = #map}, {transform_indices = #map}]} {
    %mul3A = arith.constant 2 : i32
    %mul3A_0 = arith.muli %arg1, %mul3A : i32
    %add3A = arith.addi %mul3A_0, %arg0 : i32
    %mul3A_1 = arith.constant 128 : i32
    %mul3A_2 = arith.muli %add3A, %mul3A_1 : i32
    %add3A_3 = arith.constant 0 : i32
    %add3A_4 = arith.addi %mul3A_2, %add3A_3 : i32
    %run_scoped3A = arith.constant 0 : i32
    "tpu.region"() ({
      %run_scoped3A_11 = tpu.sem_alloc : memref<!tpu.dma_semaphore, #tpu.memory_space<semaphore_mem>>
      %dma_start3A_12 = arith.constant 0 : i32
      %dma_start3A_13 = tpu.memref_slice %arg3[%add3A, %run_scoped3A, %dma_start3A_12] : memref<32x1x128xi32, #tpu.memory_space<hbm>> -> memref<1x1x128xi32, #tpu.memory_space<hbm>>
      %dma_start3A_14 = tpu.memref_squeeze %dma_start3A_13 : memref<1x1x128xi32, #tpu.memory_space<hbm>> -> memref<128xi32, #tpu.memory_space<hbm>>
      %dma_start3A_15 = arith.constant 0 : i32
      %dma_start3A_16 = tpu.memref_slice %arg3[%add3A, %run_scoped3A, %dma_start3A_15] : memref<32x1x128xi32, #tpu.memory_space<hbm>> -> memref<1x1x128xi32, #tpu.memory_space<hbm>>
      %dma_start3A_17 = tpu.memref_squeeze %dma_start3A_16 : memref<1x1x128xi32, #tpu.memory_space<hbm>> -> memref<128xi32, #tpu.memory_space<hbm>>
      tpu.enqueue_dma source(%dma_start3A_17 : memref<128xi32, #tpu.memory_space<hbm>>) target(%arg5 : memref<128xi32, #tpu.memory_space<vmem>>) target_semaphore(%run_scoped3A_11 : memref<!tpu.dma_semaphore, #tpu.memory_space<semaphore_mem>>)
      %dma_wait3A_18 = arith.constant 0 : i32
      %dma_wait3A_19 = tpu.memref_slice %arg3[%add3A, %run_scoped3A, %dma_wait3A_18] : memref<32x1x128xi32, #tpu.memory_space<hbm>> -> memref<1x1x128xi32, #tpu.memory_space<hbm>>
      %dma_wait3A_20 = tpu.memref_squeeze %dma_wait3A_19 : memref<1x1x128xi32, #tpu.memory_space<hbm>> -> memref<128xi32, #tpu.memory_space<hbm>>
      %dma_wait3A_21 = arith.constant 0 : i32
      %dma_wait3A_22 = tpu.memref_slice %arg3[%add3A, %run_scoped3A, %dma_wait3A_21] : memref<32x1x128xi32, #tpu.memory_space<hbm>> -> memref<1x1x128xi32, #tpu.memory_space<hbm>>
      %dma_wait3A_23 = tpu.memref_squeeze %dma_wait3A_22 : memref<1x1x128xi32, #tpu.memory_space<hbm>> -> memref<128xi32, #tpu.memory_space<hbm>>
      tpu.wait_dma2 semaphore(%run_scoped3A_11 : memref<!tpu.dma_semaphore, #tpu.memory_space<semaphore_mem>>) src(%dma_wait3A_23 : memref<128xi32, #tpu.memory_space<hbm>>) dst(%arg5 : memref<128xi32, #tpu.memory_space<vmem>>)
      tpu.yield
    }) : () -> ()
    %dma_start3A = arith.constant 0 : i32
    %dma_start3A_5 = arith.constant 0 : i32
    %dma_start3A_6 = arith.constant 0 : i32
    %dma_start3A_7 = tpu.memref_slice %arg2[%dma_start3A, %dma_start3A_5, %dma_start3A_6] : memref<6144x4x128xi32, #tpu.memory_space<hbm>> -> memref<6144x4x128xi32, #tpu.memory_space<hbm>>
    tpu.enqueue_indirect_dma source(%dma_start3A_7 : memref<6144x4x128xi32, #tpu.memory_space<hbm>>) target(%arg6 : memref<128x4x128xi32, #tpu.memory_space<vmem>>) offsets(%arg5 : memref<128xi32, #tpu.memory_space<vmem>>) semaphore(%arg7 : memref<!tpu.dma_semaphore, #tpu.memory_space<semaphore_mem>>)
    %dma_wait3A = arith.constant 0 : i32
    %dma_wait3A_8 = arith.constant 0 : i32
    %dma_wait3A_9 = arith.constant 0 : i32
    %dma_wait3A_10 = tpu.memref_slice %arg2[%dma_wait3A, %dma_wait3A_8, %dma_wait3A_9] : memref<6144x4x128xi32, #tpu.memory_space<hbm>> -> memref<6144x4x128xi32, #tpu.memory_space<hbm>>
    tpu.wait_indirect_dma semaphore(%arg7 : memref<!tpu.dma_semaphore, #tpu.memory_space<semaphore_mem>>) src(%dma_wait3A_10 : memref<6144x4x128xi32, #tpu.memory_space<hbm>>) dst(%arg6 : memref<128x4x128xi32, #tpu.memory_space<vmem>>)
    "tpu.region"() ({
      %run_scoped3A_11 = tpu.sem_alloc : memref<!tpu.dma_semaphore, #tpu.memory_space<semaphore_mem>>
      %dma_start3A_12 = arith.constant 0 : i32
      %dma_start3A_13 = arith.constant 0 : i32
      %dma_start3A_14 = tpu.memref_slice %arg4[%add3A_4, %dma_start3A_12, %dma_start3A_13] : memref<4096x4x128xi32, #tpu.memory_space<hbm>> -> memref<128x4x128xi32, #tpu.memory_space<hbm>>
      %dma_start3A_15 = arith.constant 0 : i32
      %dma_start3A_16 = arith.constant 0 : i32
      %dma_start3A_17 = tpu.memref_slice %arg4[%add3A_4, %dma_start3A_15, %dma_start3A_16] : memref<4096x4x128xi32, #tpu.memory_space<hbm>> -> memref<128x4x128xi32, #tpu.memory_space<hbm>>
      tpu.enqueue_dma source(%arg6 : memref<128x4x128xi32, #tpu.memory_space<vmem>>) target(%dma_start3A_17 : memref<128x4x128xi32, #tpu.memory_space<hbm>>) target_semaphore(%run_scoped3A_11 : memref<!tpu.dma_semaphore, #tpu.memory_space<semaphore_mem>>)
      %dma_wait3A_18 = arith.constant 0 : i32
      %dma_wait3A_19 = arith.constant 0 : i32
      %dma_wait3A_20 = tpu.memref_slice %arg4[%add3A_4, %dma_wait3A_18, %dma_wait3A_19] : memref<4096x4x128xi32, #tpu.memory_space<hbm>> -> memref<128x4x128xi32, #tpu.memory_space<hbm>>
      %dma_wait3A_21 = arith.constant 0 : i32
      %dma_wait3A_22 = arith.constant 0 : i32
      %dma_wait3A_23 = tpu.memref_slice %arg4[%add3A_4, %dma_wait3A_21, %dma_wait3A_22] : memref<4096x4x128xi32, #tpu.memory_space<hbm>> -> memref<128x4x128xi32, #tpu.memory_space<hbm>>
      tpu.wait_dma2 semaphore(%run_scoped3A_11 : memref<!tpu.dma_semaphore, #tpu.memory_space<semaphore_mem>>) src(%arg6 : memref<128x4x128xi32, #tpu.memory_space<vmem>>) dst(%dma_wait3A_23 : memref<128x4x128xi32, #tpu.memory_space<hbm>>)
      tpu.yield
    }) : () -> ()
    return
  }
}

#map = affine_map<(d0, d1) -> (0, 0, 0)>
module attributes {stable_mosaic.version = 14 : i64} {
  func.func @_scatter_body(%arg0: i32, %arg1: i32, %arg2: memref<2048x4x128xi32, #tpu.memory_space<hbm>>, %arg3: memref<32x1x128xi32, #tpu.memory_space<hbm>>, %arg4: memref<6144x4x128xi32, #tpu.memory_space<hbm>>, %arg5: memref<128xi32, #tpu.memory_space<vmem>>, %arg6: memref<128x4x128xi32, #tpu.memory_space<vmem>>, %arg7: memref<!tpu.dma_semaphore, #tpu.memory_space<semaphore_mem>>) attributes {dimension_semantics = [#tpu.dimension_semantics<core_parallel>, #tpu.dimension_semantics<subcore_parallel>], iteration_bounds = array<i64: 2, 16>, scalar_prefetch = 0 : i64, scratch_operands = 3 : i64, tpu.core_type = #tpu.core_type<sc_vector_subcore>, window_params = [{transform_indices = #map}, {transform_indices = #map}, {transform_indices = #map}]} {
    %mul3A = arith.constant 2 : i32
    %mul3A_0 = arith.muli %arg1, %mul3A : i32
    %add3A = arith.addi %mul3A_0, %arg0 : i32
    %mul3A_1 = arith.constant 128 : i32
    %mul3A_2 = arith.muli %add3A, %mul3A_1 : i32
    %add3A_3 = arith.constant 0 : i32
    %add3A_4 = arith.addi %mul3A_2, %add3A_3 : i32
    %rem3A = arith.constant 2048 : i32
    %rem3A_5 = arith.remsi %add3A_4, %rem3A : i32
    %run_scoped3A = arith.constant 0 : i32
    "tpu.region"() ({
      %run_scoped3A_12 = tpu.sem_alloc : memref<!tpu.dma_semaphore, #tpu.memory_space<semaphore_mem>>
      %dma_start3A_13 = arith.constant 0 : i32
      %dma_start3A_14 = tpu.memref_slice %arg3[%add3A, %run_scoped3A, %dma_start3A_13] : memref<32x1x128xi32, #tpu.memory_space<hbm>> -> memref<1x1x128xi32, #tpu.memory_space<hbm>>
      %dma_start3A_15 = tpu.memref_squeeze %dma_start3A_14 : memref<1x1x128xi32, #tpu.memory_space<hbm>> -> memref<128xi32, #tpu.memory_space<hbm>>
      %dma_start3A_16 = arith.constant 0 : i32
      %dma_start3A_17 = tpu.memref_slice %arg3[%add3A, %run_scoped3A, %dma_start3A_16] : memref<32x1x128xi32, #tpu.memory_space<hbm>> -> memref<1x1x128xi32, #tpu.memory_space<hbm>>
      %dma_start3A_18 = tpu.memref_squeeze %dma_start3A_17 : memref<1x1x128xi32, #tpu.memory_space<hbm>> -> memref<128xi32, #tpu.memory_space<hbm>>
      tpu.enqueue_dma source(%dma_start3A_18 : memref<128xi32, #tpu.memory_space<hbm>>) target(%arg5 : memref<128xi32, #tpu.memory_space<vmem>>) target_semaphore(%run_scoped3A_12 : memref<!tpu.dma_semaphore, #tpu.memory_space<semaphore_mem>>)
      %dma_wait3A_19 = arith.constant 0 : i32
      %dma_wait3A_20 = tpu.memref_slice %arg3[%add3A, %run_scoped3A, %dma_wait3A_19] : memref<32x1x128xi32, #tpu.memory_space<hbm>> -> memref<1x1x128xi32, #tpu.memory_space<hbm>>
      %dma_wait3A_21 = tpu.memref_squeeze %dma_wait3A_20 : memref<1x1x128xi32, #tpu.memory_space<hbm>> -> memref<128xi32, #tpu.memory_space<hbm>>
      %dma_wait3A_22 = arith.constant 0 : i32
      %dma_wait3A_23 = tpu.memref_slice %arg3[%add3A, %run_scoped3A, %dma_wait3A_22] : memref<32x1x128xi32, #tpu.memory_space<hbm>> -> memref<1x1x128xi32, #tpu.memory_space<hbm>>
      %dma_wait3A_24 = tpu.memref_squeeze %dma_wait3A_23 : memref<1x1x128xi32, #tpu.memory_space<hbm>> -> memref<128xi32, #tpu.memory_space<hbm>>
      tpu.wait_dma2 semaphore(%run_scoped3A_12 : memref<!tpu.dma_semaphore, #tpu.memory_space<semaphore_mem>>) src(%dma_wait3A_24 : memref<128xi32, #tpu.memory_space<hbm>>) dst(%arg5 : memref<128xi32, #tpu.memory_space<vmem>>)
      tpu.yield
    }) : () -> ()
    "tpu.region"() ({
      %run_scoped3A_12 = tpu.sem_alloc : memref<!tpu.dma_semaphore, #tpu.memory_space<semaphore_mem>>
      %dma_start3A_13 = arith.constant 0 : i32
      %dma_start3A_14 = arith.constant 0 : i32
      %dma_start3A_15 = tpu.memref_slice %arg2[%rem3A_5, %dma_start3A_13, %dma_start3A_14] : memref<2048x4x128xi32, #tpu.memory_space<hbm>> -> memref<128x4x128xi32, #tpu.memory_space<hbm>>
      %dma_start3A_16 = arith.constant 0 : i32
      %dma_start3A_17 = arith.constant 0 : i32
      %dma_start3A_18 = tpu.memref_slice %arg2[%rem3A_5, %dma_start3A_16, %dma_start3A_17] : memref<2048x4x128xi32, #tpu.memory_space<hbm>> -> memref<128x4x128xi32, #tpu.memory_space<hbm>>
      tpu.enqueue_dma source(%dma_start3A_18 : memref<128x4x128xi32, #tpu.memory_space<hbm>>) target(%arg6 : memref<128x4x128xi32, #tpu.memory_space<vmem>>) target_semaphore(%run_scoped3A_12 : memref<!tpu.dma_semaphore, #tpu.memory_space<semaphore_mem>>)
      %dma_wait3A_19 = arith.constant 0 : i32
      %dma_wait3A_20 = arith.constant 0 : i32
      %dma_wait3A_21 = tpu.memref_slice %arg2[%rem3A_5, %dma_wait3A_19, %dma_wait3A_20] : memref<2048x4x128xi32, #tpu.memory_space<hbm>> -> memref<128x4x128xi32, #tpu.memory_space<hbm>>
      %dma_wait3A_22 = arith.constant 0 : i32
      %dma_wait3A_23 = arith.constant 0 : i32
      %dma_wait3A_24 = tpu.memref_slice %arg2[%rem3A_5, %dma_wait3A_22, %dma_wait3A_23] : memref<2048x4x128xi32, #tpu.memory_space<hbm>> -> memref<128x4x128xi32, #tpu.memory_space<hbm>>
      tpu.wait_dma2 semaphore(%run_scoped3A_12 : memref<!tpu.dma_semaphore, #tpu.memory_space<semaphore_mem>>) src(%dma_wait3A_24 : memref<128x4x128xi32, #tpu.memory_space<hbm>>) dst(%arg6 : memref<128x4x128xi32, #tpu.memory_space<vmem>>)
      tpu.yield
    }) : () -> ()
    %dma_start3A = arith.constant 0 : i32
    %dma_start3A_6 = arith.constant 0 : i32
    %dma_start3A_7 = arith.constant 0 : i32
    %dma_start3A_8 = tpu.memref_slice %arg4[%dma_start3A, %dma_start3A_6, %dma_start3A_7] : memref<6144x4x128xi32, #tpu.memory_space<hbm>> -> memref<6144x4x128xi32, #tpu.memory_space<hbm>>
    tpu.enqueue_indirect_dma source(%arg6 : memref<128x4x128xi32, #tpu.memory_space<vmem>>) target(%dma_start3A_8 : memref<6144x4x128xi32, #tpu.memory_space<hbm>>) offsets(%arg5 : memref<128xi32, #tpu.memory_space<vmem>>) semaphore(%arg7 : memref<!tpu.dma_semaphore, #tpu.memory_space<semaphore_mem>>)
    %dma_wait3A = arith.constant 0 : i32
    %dma_wait3A_9 = arith.constant 0 : i32
    %dma_wait3A_10 = arith.constant 0 : i32
    %dma_wait3A_11 = tpu.memref_slice %arg4[%dma_wait3A, %dma_wait3A_9, %dma_wait3A_10] : memref<6144x4x128xi32, #tpu.memory_space<hbm>> -> memref<6144x4x128xi32, #tpu.memory_space<hbm>>
    tpu.wait_indirect_dma semaphore(%arg7 : memref<!tpu.dma_semaphore, #tpu.memory_space<semaphore_mem>>) src(%arg6 : memref<128x4x128xi32, #tpu.memory_space<vmem>>) dst(%dma_wait3A_11 : memref<6144x4x128xi32, #tpu.memory_space<hbm>>)
    return
  }
}

#map = affine_map<(d0, d1) -> (0, 0, 0)>
module attributes {stable_mosaic.version = 14 : i64} {
  func.func @_scatter_body(%arg0: i32, %arg1: i32, %arg2: memref<2048x4x128xi32, #tpu.memory_space<hbm>>, %arg3: memref<32x1x128xi32, #tpu.memory_space<hbm>>, %arg4: memref<6144x4x128xi32, #tpu.memory_space<hbm>>, %arg5: memref<128xi32, #tpu.memory_space<vmem>>, %arg6: memref<128x4x128xi32, #tpu.memory_space<vmem>>, %arg7: memref<!tpu.dma_semaphore, #tpu.memory_space<semaphore_mem>>) attributes {dimension_semantics = [#tpu.dimension_semantics<core_parallel>, #tpu.dimension_semantics<subcore_parallel>], iteration_bounds = array<i64: 2, 16>, scalar_prefetch = 0 : i64, scratch_operands = 3 : i64, tpu.core_type = #tpu.core_type<sc_vector_subcore>, window_params = [{transform_indices = #map}, {transform_indices = #map}, {transform_indices = #map}]} {
    %mul3A = arith.constant 2 : i32
    %mul3A_0 = arith.muli %arg1, %mul3A : i32
    %add3A = arith.addi %mul3A_0, %arg0 : i32
    %mul3A_1 = arith.constant 128 : i32
    %mul3A_2 = arith.muli %add3A, %mul3A_1 : i32
    %add3A_3 = arith.constant 0 : i32
    %add3A_4 = arith.addi %mul3A_2, %add3A_3 : i32
    %rem3A = arith.constant 2048 : i32
    %rem3A_5 = arith.remsi %add3A_4, %rem3A : i32
    %run_scoped3A = arith.constant 0 : i32
    "tpu.region"() ({
      %run_scoped3A_12 = tpu.sem_alloc : memref<!tpu.dma_semaphore, #tpu.memory_space<semaphore_mem>>
      %dma_start3A_13 = arith.constant 0 : i32
      %dma_start3A_14 = tpu.memref_slice %arg3[%add3A, %run_scoped3A, %dma_start3A_13] : memref<32x1x128xi32, #tpu.memory_space<hbm>> -> memref<1x1x128xi32, #tpu.memory_space<hbm>>
      %dma_start3A_15 = tpu.memref_squeeze %dma_start3A_14 : memref<1x1x128xi32, #tpu.memory_space<hbm>> -> memref<128xi32, #tpu.memory_space<hbm>>
      %dma_start3A_16 = arith.constant 0 : i32
      %dma_start3A_17 = tpu.memref_slice %arg3[%add3A, %run_scoped3A, %dma_start3A_16] : memref<32x1x128xi32, #tpu.memory_space<hbm>> -> memref<1x1x128xi32, #tpu.memory_space<hbm>>
      %dma_start3A_18 = tpu.memref_squeeze %dma_start3A_17 : memref<1x1x128xi32, #tpu.memory_space<hbm>> -> memref<128xi32, #tpu.memory_space<hbm>>
      tpu.enqueue_dma source(%dma_start3A_18 : memref<128xi32, #tpu.memory_space<hbm>>) target(%arg5 : memref<128xi32, #tpu.memory_space<vmem>>) target_semaphore(%run_scoped3A_12 : memref<!tpu.dma_semaphore, #tpu.memory_space<semaphore_mem>>)
      %dma_wait3A_19 = arith.constant 0 : i32
      %dma_wait3A_20 = tpu.memref_slice %arg3[%add3A, %run_scoped3A, %dma_wait3A_19] : memref<32x1x128xi32, #tpu.memory_space<hbm>> -> memref<1x1x128xi32, #tpu.memory_space<hbm>>
      %dma_wait3A_21 = tpu.memref_squeeze %dma_wait3A_20 : memref<1x1x128xi32, #tpu.memory_space<hbm>> -> memref<128xi32, #tpu.memory_space<hbm>>
      %dma_wait3A_22 = arith.constant 0 : i32
      %dma_wait3A_23 = tpu.memref_slice %arg3[%add3A, %run_scoped3A, %dma_wait3A_22] : memref<32x1x128xi32, #tpu.memory_space<hbm>> -> memref<1x1x128xi32, #tpu.memory_space<hbm>>
      %dma_wait3A_24 = tpu.memref_squeeze %dma_wait3A_23 : memref<1x1x128xi32, #tpu.memory_space<hbm>> -> memref<128xi32, #tpu.memory_space<hbm>>
      tpu.wait_dma2 semaphore(%run_scoped3A_12 : memref<!tpu.dma_semaphore, #tpu.memory_space<semaphore_mem>>) src(%dma_wait3A_24 : memref<128xi32, #tpu.memory_space<hbm>>) dst(%arg5 : memref<128xi32, #tpu.memory_space<vmem>>)
      tpu.yield
    }) : () -> ()
    "tpu.region"() ({
      %run_scoped3A_12 = tpu.sem_alloc : memref<!tpu.dma_semaphore, #tpu.memory_space<semaphore_mem>>
      %dma_start3A_13 = arith.constant 0 : i32
      %dma_start3A_14 = arith.constant 0 : i32
      %dma_start3A_15 = tpu.memref_slice %arg2[%rem3A_5, %dma_start3A_13, %dma_start3A_14] : memref<2048x4x128xi32, #tpu.memory_space<hbm>> -> memref<128x4x128xi32, #tpu.memory_space<hbm>>
      %dma_start3A_16 = arith.constant 0 : i32
      %dma_start3A_17 = arith.constant 0 : i32
      %dma_start3A_18 = tpu.memref_slice %arg2[%rem3A_5, %dma_start3A_16, %dma_start3A_17] : memref<2048x4x128xi32, #tpu.memory_space<hbm>> -> memref<128x4x128xi32, #tpu.memory_space<hbm>>
      tpu.enqueue_dma source(%dma_start3A_18 : memref<128x4x128xi32, #tpu.memory_space<hbm>>) target(%arg6 : memref<128x4x128xi32, #tpu.memory_space<vmem>>) target_semaphore(%run_scoped3A_12 : memref<!tpu.dma_semaphore, #tpu.memory_space<semaphore_mem>>)
      %dma_wait3A_19 = arith.constant 0 : i32
      %dma_wait3A_20 = arith.constant 0 : i32
      %dma_wait3A_21 = tpu.memref_slice %arg2[%rem3A_5, %dma_wait3A_19, %dma_wait3A_20] : memref<2048x4x128xi32, #tpu.memory_space<hbm>> -> memref<128x4x128xi32, #tpu.memory_space<hbm>>
      %dma_wait3A_22 = arith.constant 0 : i32
      %dma_wait3A_23 = arith.constant 0 : i32
      %dma_wait3A_24 = tpu.memref_slice %arg2[%rem3A_5, %dma_wait3A_22, %dma_wait3A_23] : memref<2048x4x128xi32, #tpu.memory_space<hbm>> -> memref<128x4x128xi32, #tpu.memory_space<hbm>>
      tpu.wait_dma2 semaphore(%run_scoped3A_12 : memref<!tpu.dma_semaphore, #tpu.memory_space<semaphore_mem>>) src(%dma_wait3A_24 : memref<128x4x128xi32, #tpu.memory_space<hbm>>) dst(%arg6 : memref<128x4x128xi32, #tpu.memory_space<vmem>>)
      tpu.yield
    }) : () -> ()
    %dma_start3A = arith.constant 0 : i32
    %dma_start3A_6 = arith.constant 0 : i32
    %dma_start3A_7 = arith.constant 0 : i32
    %dma_start3A_8 = tpu.memref_slice %arg4[%dma_start3A, %dma_start3A_6, %dma_start3A_7] : memref<6144x4x128xi32, #tpu.memory_space<hbm>> -> memref<6144x4x128xi32, #tpu.memory_space<hbm>>
    tpu.enqueue_indirect_dma source(%arg6 : memref<128x4x128xi32, #tpu.memory_space<vmem>>) target(%dma_start3A_8 : memref<6144x4x128xi32, #tpu.memory_space<hbm>>) offsets(%arg5 : memref<128xi32, #tpu.memory_space<vmem>>) semaphore(%arg7 : memref<!tpu.dma_semaphore, #tpu.memory_space<semaphore_mem>>)
    %dma_wait3A = arith.constant 0 : i32
    %dma_wait3A_9 = arith.constant 0 : i32
    %dma_wait3A_10 = arith.constant 0 : i32
    %dma_wait3A_11 = tpu.memref_slice %arg4[%dma_wait3A, %dma_wait3A_9, %dma_wait3A_10] : memref<6144x4x128xi32, #tpu.memory_space<hbm>> -> memref<6144x4x128xi32, #tpu.memory_space<hbm>>
    tpu.wait_indirect_dma semaphore(%arg7 : memref<!tpu.dma_semaphore, #tpu.memory_space<semaphore_mem>>) src(%arg6 : memref<128x4x128xi32, #tpu.memory_space<vmem>>) dst(%dma_wait3A_11 : memref<6144x4x128xi32, #tpu.memory_space<hbm>>)
    return
  }
}

#map = affine_map<(d0, d1) -> (0, 0, 0)>
module attributes {stable_mosaic.version = 14 : i64} {
  func.func @_scatter_body(%arg0: i32, %arg1: i32, %arg2: memref<2048x4x128xi32, #tpu.memory_space<hbm>>, %arg3: memref<32x1x128xi32, #tpu.memory_space<hbm>>, %arg4: memref<6144x4x128xi32, #tpu.memory_space<hbm>>, %arg5: memref<128xi32, #tpu.memory_space<vmem>>, %arg6: memref<128x4x128xi32, #tpu.memory_space<vmem>>, %arg7: memref<!tpu.dma_semaphore, #tpu.memory_space<semaphore_mem>>) attributes {dimension_semantics = [#tpu.dimension_semantics<core_parallel>, #tpu.dimension_semantics<subcore_parallel>], iteration_bounds = array<i64: 2, 16>, scalar_prefetch = 0 : i64, scratch_operands = 3 : i64, tpu.core_type = #tpu.core_type<sc_vector_subcore>, window_params = [{transform_indices = #map}, {transform_indices = #map}, {transform_indices = #map}]} {
    %mul3A = arith.constant 2 : i32
    %mul3A_0 = arith.muli %arg1, %mul3A : i32
    %add3A = arith.addi %mul3A_0, %arg0 : i32
    %mul3A_1 = arith.constant 128 : i32
    %mul3A_2 = arith.muli %add3A, %mul3A_1 : i32
    %add3A_3 = arith.constant 0 : i32
    %add3A_4 = arith.addi %mul3A_2, %add3A_3 : i32
    %rem3A = arith.constant 2048 : i32
    %rem3A_5 = arith.remsi %add3A_4, %rem3A : i32
    %run_scoped3A = arith.constant 0 : i32
    "tpu.region"() ({
      %run_scoped3A_12 = tpu.sem_alloc : memref<!tpu.dma_semaphore, #tpu.memory_space<semaphore_mem>>
      %dma_start3A_13 = arith.constant 0 : i32
      %dma_start3A_14 = tpu.memref_slice %arg3[%add3A, %run_scoped3A, %dma_start3A_13] : memref<32x1x128xi32, #tpu.memory_space<hbm>> -> memref<1x1x128xi32, #tpu.memory_space<hbm>>
      %dma_start3A_15 = tpu.memref_squeeze %dma_start3A_14 : memref<1x1x128xi32, #tpu.memory_space<hbm>> -> memref<128xi32, #tpu.memory_space<hbm>>
      %dma_start3A_16 = arith.constant 0 : i32
      %dma_start3A_17 = tpu.memref_slice %arg3[%add3A, %run_scoped3A, %dma_start3A_16] : memref<32x1x128xi32, #tpu.memory_space<hbm>> -> memref<1x1x128xi32, #tpu.memory_space<hbm>>
      %dma_start3A_18 = tpu.memref_squeeze %dma_start3A_17 : memref<1x1x128xi32, #tpu.memory_space<hbm>> -> memref<128xi32, #tpu.memory_space<hbm>>
      tpu.enqueue_dma source(%dma_start3A_18 : memref<128xi32, #tpu.memory_space<hbm>>) target(%arg5 : memref<128xi32, #tpu.memory_space<vmem>>) target_semaphore(%run_scoped3A_12 : memref<!tpu.dma_semaphore, #tpu.memory_space<semaphore_mem>>)
      %dma_wait3A_19 = arith.constant 0 : i32
      %dma_wait3A_20 = tpu.memref_slice %arg3[%add3A, %run_scoped3A, %dma_wait3A_19] : memref<32x1x128xi32, #tpu.memory_space<hbm>> -> memref<1x1x128xi32, #tpu.memory_space<hbm>>
      %dma_wait3A_21 = tpu.memref_squeeze %dma_wait3A_20 : memref<1x1x128xi32, #tpu.memory_space<hbm>> -> memref<128xi32, #tpu.memory_space<hbm>>
      %dma_wait3A_22 = arith.constant 0 : i32
      %dma_wait3A_23 = tpu.memref_slice %arg3[%add3A, %run_scoped3A, %dma_wait3A_22] : memref<32x1x128xi32, #tpu.memory_space<hbm>> -> memref<1x1x128xi32, #tpu.memory_space<hbm>>
      %dma_wait3A_24 = tpu.memref_squeeze %dma_wait3A_23 : memref<1x1x128xi32, #tpu.memory_space<hbm>> -> memref<128xi32, #tpu.memory_space<hbm>>
      tpu.wait_dma2 semaphore(%run_scoped3A_12 : memref<!tpu.dma_semaphore, #tpu.memory_space<semaphore_mem>>) src(%dma_wait3A_24 : memref<128xi32, #tpu.memory_space<hbm>>) dst(%arg5 : memref<128xi32, #tpu.memory_space<vmem>>)
      tpu.yield
    }) : () -> ()
    "tpu.region"() ({
      %run_scoped3A_12 = tpu.sem_alloc : memref<!tpu.dma_semaphore, #tpu.memory_space<semaphore_mem>>
      %dma_start3A_13 = arith.constant 0 : i32
      %dma_start3A_14 = arith.constant 0 : i32
      %dma_start3A_15 = tpu.memref_slice %arg2[%rem3A_5, %dma_start3A_13, %dma_start3A_14] : memref<2048x4x128xi32, #tpu.memory_space<hbm>> -> memref<128x4x128xi32, #tpu.memory_space<hbm>>
      %dma_start3A_16 = arith.constant 0 : i32
      %dma_start3A_17 = arith.constant 0 : i32
      %dma_start3A_18 = tpu.memref_slice %arg2[%rem3A_5, %dma_start3A_16, %dma_start3A_17] : memref<2048x4x128xi32, #tpu.memory_space<hbm>> -> memref<128x4x128xi32, #tpu.memory_space<hbm>>
      tpu.enqueue_dma source(%dma_start3A_18 : memref<128x4x128xi32, #tpu.memory_space<hbm>>) target(%arg6 : memref<128x4x128xi32, #tpu.memory_space<vmem>>) target_semaphore(%run_scoped3A_12 : memref<!tpu.dma_semaphore, #tpu.memory_space<semaphore_mem>>)
      %dma_wait3A_19 = arith.constant 0 : i32
      %dma_wait3A_20 = arith.constant 0 : i32
      %dma_wait3A_21 = tpu.memref_slice %arg2[%rem3A_5, %dma_wait3A_19, %dma_wait3A_20] : memref<2048x4x128xi32, #tpu.memory_space<hbm>> -> memref<128x4x128xi32, #tpu.memory_space<hbm>>
      %dma_wait3A_22 = arith.constant 0 : i32
      %dma_wait3A_23 = arith.constant 0 : i32
      %dma_wait3A_24 = tpu.memref_slice %arg2[%rem3A_5, %dma_wait3A_22, %dma_wait3A_23] : memref<2048x4x128xi32, #tpu.memory_space<hbm>> -> memref<128x4x128xi32, #tpu.memory_space<hbm>>
      tpu.wait_dma2 semaphore(%run_scoped3A_12 : memref<!tpu.dma_semaphore, #tpu.memory_space<semaphore_mem>>) src(%dma_wait3A_24 : memref<128x4x128xi32, #tpu.memory_space<hbm>>) dst(%arg6 : memref<128x4x128xi32, #tpu.memory_space<vmem>>)
      tpu.yield
    }) : () -> ()
    %dma_start3A = arith.constant 0 : i32
    %dma_start3A_6 = arith.constant 0 : i32
    %dma_start3A_7 = arith.constant 0 : i32
    %dma_start3A_8 = tpu.memref_slice %arg4[%dma_start3A, %dma_start3A_6, %dma_start3A_7] : memref<6144x4x128xi32, #tpu.memory_space<hbm>> -> memref<6144x4x128xi32, #tpu.memory_space<hbm>>
    tpu.enqueue_indirect_dma source(%arg6 : memref<128x4x128xi32, #tpu.memory_space<vmem>>) target(%dma_start3A_8 : memref<6144x4x128xi32, #tpu.memory_space<hbm>>) offsets(%arg5 : memref<128xi32, #tpu.memory_space<vmem>>) semaphore(%arg7 : memref<!tpu.dma_semaphore, #tpu.memory_space<semaphore_mem>>)
    %dma_wait3A = arith.constant 0 : i32
    %dma_wait3A_9 = arith.constant 0 : i32
    %dma_wait3A_10 = arith.constant 0 : i32
    %dma_wait3A_11 = tpu.memref_slice %arg4[%dma_wait3A, %dma_wait3A_9, %dma_wait3A_10] : memref<6144x4x128xi32, #tpu.memory_space<hbm>> -> memref<6144x4x128xi32, #tpu.memory_space<hbm>>
    tpu.wait_indirect_dma semaphore(%arg7 : memref<!tpu.dma_semaphore, #tpu.memory_space<semaphore_mem>>) src(%arg6 : memref<128x4x128xi32, #tpu.memory_space<vmem>>) dst(%dma_wait3A_11 : memref<6144x4x128xi32, #tpu.memory_space<hbm>>)
    return
  }
}

#map = affine_map<(d0, d1) -> (0, 0, 0)>
module attributes {stable_mosaic.version = 14 : i64} {
  func.func @_gather_body(%arg0: i32, %arg1: i32, %arg2: memref<6144x4x128xi32, #tpu.memory_space<hbm>>, %arg3: memref<32x1x128xi32, #tpu.memory_space<hbm>>, %arg4: memref<4096x4x128xi32, #tpu.memory_space<hbm>>, %arg5: memref<128xi32, #tpu.memory_space<vmem>>, %arg6: memref<128x4x128xi32, #tpu.memory_space<vmem>>, %arg7: memref<!tpu.dma_semaphore, #tpu.memory_space<semaphore_mem>>) attributes {dimension_semantics = [#tpu.dimension_semantics<core_parallel>, #tpu.dimension_semantics<subcore_parallel>], iteration_bounds = array<i64: 2, 16>, scalar_prefetch = 0 : i64, scratch_operands = 3 : i64, tpu.core_type = #tpu.core_type<sc_vector_subcore>, window_params = [{transform_indices = #map}, {transform_indices = #map}, {transform_indices = #map}]} {
    %mul3A = arith.constant 2 : i32
    %mul3A_0 = arith.muli %arg1, %mul3A : i32
    %add3A = arith.addi %mul3A_0, %arg0 : i32
    %mul3A_1 = arith.constant 128 : i32
    %mul3A_2 = arith.muli %add3A, %mul3A_1 : i32
    %add3A_3 = arith.constant 0 : i32
    %add3A_4 = arith.addi %mul3A_2, %add3A_3 : i32
    %run_scoped3A = arith.constant 0 : i32
    "tpu.region"() ({
      %run_scoped3A_11 = tpu.sem_alloc : memref<!tpu.dma_semaphore, #tpu.memory_space<semaphore_mem>>
      %dma_start3A_12 = arith.constant 0 : i32
      %dma_start3A_13 = tpu.memref_slice %arg3[%add3A, %run_scoped3A, %dma_start3A_12] : memref<32x1x128xi32, #tpu.memory_space<hbm>> -> memref<1x1x128xi32, #tpu.memory_space<hbm>>
      %dma_start3A_14 = tpu.memref_squeeze %dma_start3A_13 : memref<1x1x128xi32, #tpu.memory_space<hbm>> -> memref<128xi32, #tpu.memory_space<hbm>>
      %dma_start3A_15 = arith.constant 0 : i32
      %dma_start3A_16 = tpu.memref_slice %arg3[%add3A, %run_scoped3A, %dma_start3A_15] : memref<32x1x128xi32, #tpu.memory_space<hbm>> -> memref<1x1x128xi32, #tpu.memory_space<hbm>>
      %dma_start3A_17 = tpu.memref_squeeze %dma_start3A_16 : memref<1x1x128xi32, #tpu.memory_space<hbm>> -> memref<128xi32, #tpu.memory_space<hbm>>
      tpu.enqueue_dma source(%dma_start3A_17 : memref<128xi32, #tpu.memory_space<hbm>>) target(%arg5 : memref<128xi32, #tpu.memory_space<vmem>>) target_semaphore(%run_scoped3A_11 : memref<!tpu.dma_semaphore, #tpu.memory_space<semaphore_mem>>)
      %dma_wait3A_18 = arith.constant 0 : i32
      %dma_wait3A_19 = tpu.memref_slice %arg3[%add3A, %run_scoped3A, %dma_wait3A_18] : memref<32x1x128xi32, #tpu.memory_space<hbm>> -> memref<1x1x128xi32, #tpu.memory_space<hbm>>
      %dma_wait3A_20 = tpu.memref_squeeze %dma_wait3A_19 : memref<1x1x128xi32, #tpu.memory_space<hbm>> -> memref<128xi32, #tpu.memory_space<hbm>>
      %dma_wait3A_21 = arith.constant 0 : i32
      %dma_wait3A_22 = tpu.memref_slice %arg3[%add3A, %run_scoped3A, %dma_wait3A_21] : memref<32x1x128xi32, #tpu.memory_space<hbm>> -> memref<1x1x128xi32, #tpu.memory_space<hbm>>
      %dma_wait3A_23 = tpu.memref_squeeze %dma_wait3A_22 : memref<1x1x128xi32, #tpu.memory_space<hbm>> -> memref<128xi32, #tpu.memory_space<hbm>>
      tpu.wait_dma2 semaphore(%run_scoped3A_11 : memref<!tpu.dma_semaphore, #tpu.memory_space<semaphore_mem>>) src(%dma_wait3A_23 : memref<128xi32, #tpu.memory_space<hbm>>) dst(%arg5 : memref<128xi32, #tpu.memory_space<vmem>>)
      tpu.yield
    }) : () -> ()
    %dma_start3A = arith.constant 0 : i32
    %dma_start3A_5 = arith.constant 0 : i32
    %dma_start3A_6 = arith.constant 0 : i32
    %dma_start3A_7 = tpu.memref_slice %arg2[%dma_start3A, %dma_start3A_5, %dma_start3A_6] : memref<6144x4x128xi32, #tpu.memory_space<hbm>> -> memref<6144x4x128xi32, #tpu.memory_space<hbm>>
    tpu.enqueue_indirect_dma source(%dma_start3A_7 : memref<6144x4x128xi32, #tpu.memory_space<hbm>>) target(%arg6 : memref<128x4x128xi32, #tpu.memory_space<vmem>>) offsets(%arg5 : memref<128xi32, #tpu.memory_space<vmem>>) semaphore(%arg7 : memref<!tpu.dma_semaphore, #tpu.memory_space<semaphore_mem>>)
    %dma_wait3A = arith.constant 0 : i32
    %dma_wait3A_8 = arith.constant 0 : i32
    %dma_wait3A_9 = arith.constant 0 : i32
    %dma_wait3A_10 = tpu.memref_slice %arg2[%dma_wait3A, %dma_wait3A_8, %dma_wait3A_9] : memref<6144x4x128xi32, #tpu.memory_space<hbm>> -> memref<6144x4x128xi32, #tpu.memory_space<hbm>>
    tpu.wait_indirect_dma semaphore(%arg7 : memref<!tpu.dma_semaphore, #tpu.memory_space<semaphore_mem>>) src(%dma_wait3A_10 : memref<6144x4x128xi32, #tpu.memory_space<hbm>>) dst(%arg6 : memref<128x4x128xi32, #tpu.memory_space<vmem>>)
    "tpu.region"() ({
      %run_scoped3A_11 = tpu.sem_alloc : memref<!tpu.dma_semaphore, #tpu.memory_space<semaphore_mem>>
      %dma_start3A_12 = arith.constant 0 : i32
      %dma_start3A_13 = arith.constant 0 : i32
      %dma_start3A_14 = tpu.memref_slice %arg4[%add3A_4, %dma_start3A_12, %dma_start3A_13] : memref<4096x4x128xi32, #tpu.memory_space<hbm>> -> memref<128x4x128xi32, #tpu.memory_space<hbm>>
      %dma_start3A_15 = arith.constant 0 : i32
      %dma_start3A_16 = arith.constant 0 : i32
      %dma_start3A_17 = tpu.memref_slice %arg4[%add3A_4, %dma_start3A_15, %dma_start3A_16] : memref<4096x4x128xi32, #tpu.memory_space<hbm>> -> memref<128x4x128xi32, #tpu.memory_space<hbm>>
      tpu.enqueue_dma source(%arg6 : memref<128x4x128xi32, #tpu.memory_space<vmem>>) target(%dma_start3A_17 : memref<128x4x128xi32, #tpu.memory_space<hbm>>) target_semaphore(%run_scoped3A_11 : memref<!tpu.dma_semaphore, #tpu.memory_space<semaphore_mem>>)
      %dma_wait3A_18 = arith.constant 0 : i32
      %dma_wait3A_19 = arith.constant 0 : i32
      %dma_wait3A_20 = tpu.memref_slice %arg4[%add3A_4, %dma_wait3A_18, %dma_wait3A_19] : memref<4096x4x128xi32, #tpu.memory_space<hbm>> -> memref<128x4x128xi32, #tpu.memory_space<hbm>>
      %dma_wait3A_21 = arith.constant 0 : i32
      %dma_wait3A_22 = arith.constant 0 : i32
      %dma_wait3A_23 = tpu.memref_slice %arg4[%add3A_4, %dma_wait3A_21, %dma_wait3A_22] : memref<4096x4x128xi32, #tpu.memory_space<hbm>> -> memref<128x4x128xi32, #tpu.memory_space<hbm>>
      tpu.wait_dma2 semaphore(%run_scoped3A_11 : memref<!tpu.dma_semaphore, #tpu.memory_space<semaphore_mem>>) src(%arg6 : memref<128x4x128xi32, #tpu.memory_space<vmem>>) dst(%dma_wait3A_23 : memref<128x4x128xi32, #tpu.memory_space<hbm>>)
      tpu.yield
    }) : () -> ()
    return
  }
}

module attributes {stable_mosaic.version = 14 : i64} {
  func.func @_router_body(%arg0: i32, %arg1: memref<256x1024xf32, #tpu.memory_space<vmem>>, %arg2: memref<256x1024xbf16, #tpu.memory_space<vmem>>, %arg3: memref<256x1024xbf16, #tpu.memory_space<vmem>>, %arg4: memref<256x2xf32, #tpu.memory_space<vmem>>, %arg5: memref<256x8xf32, #tpu.memory_space<vmem>>, %arg6: memref<1x1024xf32, #tpu.memory_space<vmem>>, %arg7: memref<1x1024xf32, #tpu.memory_space<vmem>>, %arg8: memref<1032x8xf32, #tpu.memory_space<vmem>>, %arg9: memref<1x8xf32, #tpu.memory_space<vmem>>, %arg10: memref<256x1024xf32, #tpu.memory_space<vmem>>, %arg11: memref<256x1024xbf16, #tpu.memory_space<vmem>>, %arg12: memref<2048x2xi32, #tpu.memory_space<vmem>>, %arg13: memref<24x1xi32, #tpu.memory_space<vmem>>, %arg14: memref<256x2xf32, #tpu.memory_space<vmem>>, %arg15: memref<2048x8xf32, #tpu.memory_space<vmem>>, %arg16: memref<2048x8xf32, #tpu.memory_space<vmem>>, %arg17: memref<2048x8xf32, #tpu.memory_space<vmem>>, %arg18: memref<2048x8xf32, #tpu.memory_space<vmem>>, %arg19: memref<1x8xf32, #tpu.memory_space<vmem>>, %arg20: memref<1x8xf32, #tpu.memory_space<vmem>>) attributes {dimension_semantics = [#tpu.dimension_semantics<arbitrary>], iteration_bounds = array<i64: 9>, scalar_prefetch = 0 : i64, scratch_operands = 6 : i64, tpu.core_type = #tpu.core_type<tc>, window_params = [{transform_indices = @transform_0, window_bounds = array<i64: 256, 1024>}, {transform_indices = @transform_1, window_bounds = array<i64: 256, 1024>}, {transform_indices = @transform_2, window_bounds = array<i64: 256, 1024>}, {transform_indices = @transform_3, window_bounds = array<i64: 256, 2>}, {transform_indices = @transform_4, window_bounds = array<i64: 256, 8>}, {pipeline_mode = #tpu.pipeline_mode<synchronous>, transform_indices = @transform_5, window_bounds = array<i64: 1, 1024>}, {pipeline_mode = #tpu.pipeline_mode<synchronous>, transform_indices = @transform_6, window_bounds = array<i64: 1, 1024>}, {pipeline_mode = #tpu.pipeline_mode<synchronous>, transform_indices = @transform_7, window_bounds = array<i64: 1032, 8>}, {pipeline_mode = #tpu.pipeline_mode<synchronous>, transform_indices = @transform_8, window_bounds = array<i64: 1, 8>}, {transform_indices = @transform_9, window_bounds = array<i64: 256, 1024>}, {transform_indices = @transform_10, window_bounds = array<i64: 256, 1024>}, {pipeline_mode = #tpu.pipeline_mode<synchronous>, transform_indices = @transform_11, window_bounds = array<i64: 2048, 2>}, {pipeline_mode = #tpu.pipeline_mode<synchronous>, transform_indices = @transform_12, window_bounds = array<i64: 24, 1>}, {transform_indices = @transform_13, window_bounds = array<i64: 256, 2>}]} {
    %eq3A = arith.constant 0 : i32
    %eq3A_0 = arith.cmpi eq, %arg0, %eq3A : i32
    %convert_element_type3A = arith.extui %eq3A_0 : i1 to i32
    %cond3A = arith.constant 0 : i32
    %cond3A_1 = arith.cmpi ne, %convert_element_type3A, %cond3A : i32
    scf.if %cond3A_1 {
      %broadcast_in_dim3A = arith.constant 0.000000e+00 : f32
      %broadcast_in_dim3A_11 = vector.broadcast %broadcast_in_dim3A : f32 to vector<1x8xf32>
      %swap3A = arith.constant 0 : index
      %swap3A_12 = arith.constant 0 : index
      %swap3A_13 = vector.load %arg19[%swap3A, %swap3A_12] : memref<1x8xf32, #tpu.memory_space<vmem>>, vector<1x8xf32>
      tpu.vector_store %arg19[%swap3A, %swap3A_12], %broadcast_in_dim3A_11 {strides = array<i32>} : memref<1x8xf32, #tpu.memory_space<vmem>>, vector<1x8xf32>,
      %broadcast_in_dim3A_14 = arith.constant 0.000000e+00 : f32
      %broadcast_in_dim3A_15 = vector.broadcast %broadcast_in_dim3A_14 : f32 to vector<1x8xf32>
      %swap3A_16 = arith.constant 0 : index
      %swap3A_17 = arith.constant 0 : index
      %swap3A_18 = vector.load %arg20[%swap3A_16, %swap3A_17] : memref<1x8xf32, #tpu.memory_space<vmem>>, vector<1x8xf32>
      tpu.vector_store %arg20[%swap3A_16, %swap3A_17], %broadcast_in_dim3A_15 {strides = array<i32>} : memref<1x8xf32, #tpu.memory_space<vmem>>, vector<1x8xf32>,
    } else {
    }
    %lt3A = arith.constant 8 : i32
    %lt3A_2 = arith.cmpi slt, %arg0, %lt3A : i32
    %convert_element_type3A_3 = arith.extui %lt3A_2 : i1 to i32
    %cond3A_4 = arith.constant 0 : i32
    %cond3A_5 = arith.cmpi ne, %convert_element_type3A_3, %cond3A_4 : i32
    scf.if %cond3A_5 {
      %mul3A = arith.constant 256 : i32
      %mul3A_11 = arith.muli %arg0, %mul3A : i32
      %get3A = arith.constant 0 : index
      %get3A_12 = arith.constant 0 : index
      %get3A_13 = vector.load %arg1[%get3A, %get3A_12] : memref<256x1024xf32, #tpu.memory_space<vmem>>, vector<256x1024xf32>
      %get3A_14 = arith.constant 0 : index
      %get3A_15 = arith.constant 0 : index
      %get3A_16 = vector.load %arg4[%get3A_14, %get3A_15] : memref<256x2xf32, #tpu.memory_space<vmem>>, vector<256x1xf32>
      %get3A_17 = arith.constant 0 : index
      %get3A_18 = arith.constant 0 : index
      %get3A_19 = vector.load %arg2[%get3A_17, %get3A_18] : memref<256x1024xbf16, #tpu.memory_space<vmem>>, vector<256x1024xbf16>
      %convert_element_type3A_20 = arith.extf %get3A_19 : vector<256x1024xbf16> to vector<256x1024xf32>
      %mul3A_21 = vector.broadcast %get3A_16 : vector<256x1xf32> to vector<256x1024xf32>
      %mul3A_22 = arith.mulf %mul3A_21, %convert_element_type3A_20 : vector<256x1024xf32>
      %add3A = arith.addf %get3A_13, %mul3A_22 : vector<256x1024xf32>
      %get3A_23 = arith.constant 0 : index
      %get3A_24 = arith.constant 1 : index
      %get3A_25 = vector.load %arg4[%get3A_23, %get3A_24] : memref<256x2xf32, #tpu.memory_space<vmem>>, vector<256x1xf32>
      %get3A_26 = arith.constant 0 : index
      %get3A_27 = arith.constant 0 : index
      %get3A_28 = vector.load %arg3[%get3A_26, %get3A_27] : memref<256x1024xbf16, #tpu.memory_space<vmem>>, vector<256x1024xbf16>
      %convert_element_type3A_29 = arith.extf %get3A_28 : vector<256x1024xbf16> to vector<256x1024xf32>
      %mul3A_30 = vector.broadcast %get3A_25 : vector<256x1xf32> to vector<256x1024xf32>
      %mul3A_31 = arith.mulf %mul3A_30, %convert_element_type3A_29 : vector<256x1024xf32>
      %add3A_32 = arith.addf %add3A, %mul3A_31 : vector<256x1024xf32>
      %swap3A = arith.constant 0 : index
      %swap3A_33 = arith.constant 0 : index
      %swap3A_34 = vector.load %arg10[%swap3A, %swap3A_33] : memref<256x1024xf32, #tpu.memory_space<vmem>>, vector<256x1024xf32>
      tpu.vector_store %arg10[%swap3A, %swap3A_33], %add3A_32 {strides = array<i32>} : memref<256x1024xf32, #tpu.memory_space<vmem>>, vector<256x1024xf32>,
      %reduce_sum3A = arith.constant dense<0.000000e+00> : vector<256xf32>
      %reduce_sum3A_35 = vector.multi_reduction <add>, %add3A_32, %reduce_sum3A [1] : vector<256x1024xf32> to vector<256xf32>
      %broadcast_in_dim3A = vector.shape_cast %reduce_sum3A_35 : vector<256xf32> to vector<256x1xf32>
      %div3A = arith.constant 1.024000e+03 : f32
      %div3A_36 = vector.broadcast %div3A : f32 to vector<256x1xf32>
      %div3A_37 = arith.divf %broadcast_in_dim3A, %div3A_36 : vector<256x1xf32>
      %sub3A = vector.broadcast %div3A_37 : vector<256x1xf32> to vector<256x1024xf32>
      %sub3A_38 = arith.subf %add3A_32, %sub3A : vector<256x1024xf32>
      %integer_pow3A = arith.mulf %sub3A_38, %sub3A_38 : vector<256x1024xf32>
      %reduce_sum3A_39 = arith.constant dense<0.000000e+00> : vector<256xf32>
      %reduce_sum3A_40 = vector.multi_reduction <add>, %integer_pow3A, %reduce_sum3A_39 [1] : vector<256x1024xf32> to vector<256xf32>
      %broadcast_in_dim3A_41 = vector.shape_cast %reduce_sum3A_40 : vector<256xf32> to vector<256x1xf32>
      %div3A_42 = arith.constant 1.024000e+03 : f32
      %div3A_43 = vector.broadcast %div3A_42 : f32 to vector<256x1xf32>
      %div3A_44 = arith.divf %broadcast_in_dim3A_41, %div3A_43 : vector<256x1xf32>
      %sub3A_45 = vector.broadcast %div3A_37 : vector<256x1xf32> to vector<256x1024xf32>
      %sub3A_46 = arith.subf %add3A_32, %sub3A_45 : vector<256x1024xf32>
      %add3A_47 = arith.constant 9.99999974E-6 : f32
      %add3A_48 = vector.broadcast %add3A_47 : f32 to vector<256x1xf32>
      %add3A_49 = arith.addf %div3A_44, %add3A_48 : vector<256x1xf32>
      %sqrt3A = math.sqrt %add3A_49 : vector<256x1xf32>
      %div3A_50 = vector.broadcast %sqrt3A : vector<256x1xf32> to vector<256x1024xf32>
      %div3A_51 = arith.divf %sub3A_46, %div3A_50 : vector<256x1024xf32>
      %get3A_52 = arith.constant 0 : index
      %get3A_53 = arith.constant 0 : index
      %get3A_54 = vector.load %arg6[%get3A_52, %get3A_53] : memref<1x1024xf32, #tpu.memory_space<vmem>>, vector<1x1024xf32>
      %get3A_55 = vector.shape_cast %get3A_54 : vector<1x1024xf32> to vector<1024xf32>
      %broadcast_in_dim3A_56 = vector.shape_cast %get3A_55 : vector<1024xf32> to vector<1x1024xf32>
      %mul3A_57 = vector.broadcast %broadcast_in_dim3A_56 : vector<1x1024xf32> to vector<256x1024xf32>
      %mul3A_58 = arith.mulf %div3A_51, %mul3A_57 : vector<256x1024xf32>
      %get3A_59 = arith.constant 0 : index
      %get3A_60 = arith.constant 0 : index
      %get3A_61 = vector.load %arg7[%get3A_59, %get3A_60] : memref<1x1024xf32, #tpu.memory_space<vmem>>, vector<1x1024xf32>
      %get3A_62 = vector.shape_cast %get3A_61 : vector<1x1024xf32> to vector<1024xf32>
      %broadcast_in_dim3A_63 = vector.shape_cast %get3A_62 : vector<1024xf32> to vector<1x1024xf32>
      %add3A_64 = vector.broadcast %broadcast_in_dim3A_63 : vector<1x1024xf32> to vector<256x1024xf32>
      %add3A_65 = arith.addf %mul3A_58, %add3A_64 : vector<256x1024xf32>
      %convert_element_type3A_66 = arith.truncf %add3A_65 : vector<256x1024xf32> to vector<256x1024xbf16>
      %swap3A_67 = arith.constant 0 : index
      %swap3A_68 = arith.constant 0 : index
      %swap3A_69 = vector.load %arg11[%swap3A_67, %swap3A_68] : memref<256x1024xbf16, #tpu.memory_space<vmem>>, vector<256x1024xbf16>
      tpu.vector_store %arg11[%swap3A_67, %swap3A_68], %convert_element_type3A_66 {strides = array<i32>} : memref<256x1024xbf16, #tpu.memory_space<vmem>>, vector<256x1024xbf16>,
      %get3A_70 = arith.constant 0 : index
      %get3A_71 = arith.constant 0 : index
      %get3A_72 = vector.load %arg8[%get3A_70, %get3A_71] : memref<1032x8xf32, #tpu.memory_space<vmem>>, vector<1024x8xf32>
      %convert_element_type3A_73 = arith.truncf %get3A_72 : vector<1024x8xf32> to vector<1024x8xbf16>
      %dot_general3A = arith.constant dense<0.000000e+00> : vector<256x8xf32>
      %dot_general3A_74 = tpu.matmul %convert_element_type3A_66, %convert_element_type3A_73, %dot_general3A {dimension_numbers = #tpu.dot_dimension_numbers<[1], [0], [0], [1], [0, 0, 1, 1], [], []>, transpose_lhs_hint = false} : vector<256x1024xbf16>, vector<1024x8xbf16>, vector<256x8xf32> -> vector<256x8xf32>
      %get3A_75 = arith.constant 0 : index
      %get3A_76 = arith.constant 0 : index
      %get3A_77 = vector.load %arg5[%get3A_75, %get3A_76] : memref<256x8xf32, #tpu.memory_space<vmem>>, vector<256x8xf32>
      %convert_element_type3A_78 = arith.truncf %get3A_77 : vector<256x8xf32> to vector<256x8xbf16>
      %get3A_79 = arith.constant 1024 : index
      %get3A_80 = arith.constant 0 : index
      %get3A_81 = vector.load %arg8[%get3A_79, %get3A_80] : memref<1032x8xf32, #tpu.memory_space<vmem>>, vector<8x8xf32>
      %convert_element_type3A_82 = arith.truncf %get3A_81 : vector<8x8xf32> to vector<8x8xbf16>
      %dot_general3A_83 = arith.constant dense<0.000000e+00> : vector<256x8xf32>
      %dot_general3A_84 = tpu.matmul %convert_element_type3A_78, %convert_element_type3A_82, %dot_general3A_83 {dimension_numbers = #tpu.dot_dimension_numbers<[1], [0], [0], [1], [0, 0, 1, 1], [], []>, transpose_lhs_hint = false} : vector<256x8xbf16>, vector<8x8xbf16>, vector<256x8xf32> -> vector<256x8xf32>
      %add3A_85 = arith.addf %dot_general3A_74, %dot_general3A_84 : vector<256x8xf32>
      %get3A_86 = arith.constant 0 : index
      %get3A_87 = arith.constant 0 : index
      %get3A_88 = vector.load %arg9[%get3A_86, %get3A_87] : memref<1x8xf32, #tpu.memory_space<vmem>>, vector<1x8xf32>
      %get3A_89 = vector.shape_cast %get3A_88 : vector<1x8xf32> to vector<8xf32>
      %broadcast_in_dim3A_90 = vector.shape_cast %get3A_89 : vector<8xf32> to vector<1x8xf32>
      %add3A_91 = vector.broadcast %broadcast_in_dim3A_90 : vector<1x8xf32> to vector<256x8xf32>
      %add3A_92 = arith.addf %add3A_85, %add3A_91 : vector<256x8xf32>
      %reduce_max3A = arith.constant dense<0xFF800000> : vector<256xf32>
      %reduce_max3A_93 = vector.multi_reduction <maximumf>, %add3A_92, %reduce_max3A [1] : vector<256x8xf32> to vector<256xf32>
      %broadcast_in_dim3A_94 = vector.shape_cast %reduce_max3A_93 : vector<256xf32> to vector<256x1xf32>
      %sub3A_95 = vector.broadcast %broadcast_in_dim3A_94 : vector<256x1xf32> to vector<256x8xf32>
      %sub3A_96 = arith.subf %add3A_92, %sub3A_95 : vector<256x8xf32>
      %exp3A = math.exp %sub3A_96 : vector<256x8xf32>
      %reduce_sum3A_97 = arith.constant dense<0.000000e+00> : vector<256xf32>
      %reduce_sum3A_98 = vector.multi_reduction <add>, %exp3A, %reduce_sum3A_97 [1] : vector<256x8xf32> to vector<256xf32>
      %broadcast_in_dim3A_99 = vector.shape_cast %reduce_sum3A_98 : vector<256xf32> to vector<256x1xf32>
      %div3A_100 = vector.broadcast %broadcast_in_dim3A_99 : vector<256x1xf32> to vector<256x8xf32>
      %div3A_101 = arith.divf %exp3A, %div3A_100 : vector<256x8xf32>
      %iota3A = tpu.iota {dimensions = array<i32: 1>} : vector<256x8xi32>
      %reduce_max3A_102 = arith.constant dense<0xFF800000> : vector<256xf32>
      %reduce_max3A_103 = vector.multi_reduction <maximumf>, %div3A_101, %reduce_max3A_102 [1] : vector<256x8xf32> to vector<256xf32>
      %broadcast_in_dim3A_104 = vector.shape_cast %reduce_max3A_103 : vector<256xf32> to vector<256x1xf32>
      %eq3A_105 = vector.broadcast %broadcast_in_dim3A_104 : vector<256x1xf32> to vector<256x8xf32>
      %eq3A_106 = arith.cmpf oeq, %div3A_101, %eq3A_105 : vector<256x8xf32>
      %jit3A = arith.constant 8 : i32
      %broadcast_in_dim3A_107 = vector.broadcast %jit3A : i32 to vector<256x8xi32>
      %select_n3A = arith.select %eq3A_106, %iota3A, %broadcast_in_dim3A_107 : vector<256x8xi1>, vector<256x8xi32>
      %reduce_min3A = arith.constant dense<2147483647> : vector<256xi32>
      %reduce_min3A_108 = vector.multi_reduction <minsi>, %select_n3A, %reduce_min3A [1] : vector<256x8xi32> to vector<256xi32>
      %broadcast_in_dim3A_109 = vector.shape_cast %reduce_min3A_108 : vector<256xi32> to vector<256x1xi32>
      %eq3A_110 = vector.broadcast %broadcast_in_dim3A_109 : vector<256x1xi32> to vector<256x8xi32>
      %eq3A_111 = arith.cmpi eq, %iota3A, %eq3A_110 : vector<256x8xi32>
      %convert_element_type3A_112 = arith.extui %eq3A_111 : vector<256x8xi1> to vector<256x8xi32>
      %convert_element_type3A_113 = arith.sitofp %convert_element_type3A_112 : vector<256x8xi32> to vector<256x8xf32>
      %eq3A_114 = vector.broadcast %broadcast_in_dim3A_109 : vector<256x1xi32> to vector<256x8xi32>
      %eq3A_115 = arith.cmpi eq, %iota3A, %eq3A_114 : vector<256x8xi32>
      %jit3A_116 = arith.constant -1.000000e+00 : f32
      %broadcast_in_dim3A_117 = vector.broadcast %jit3A_116 : f32 to vector<256x8xf32>
      %select_n3A_118 = arith.select %eq3A_115, %broadcast_in_dim3A_117, %div3A_101 : vector<256x8xi1>, vector<256x8xf32>
      %reduce_max3A_119 = arith.constant dense<0xFF800000> : vector<256xf32>
      %reduce_max3A_120 = vector.multi_reduction <maximumf>, %select_n3A_118, %reduce_max3A_119 [1] : vector<256x8xf32> to vector<256xf32>
      %broadcast_in_dim3A_121 = vector.shape_cast %reduce_max3A_120 : vector<256xf32> to vector<256x1xf32>
      %eq3A_122 = vector.broadcast %broadcast_in_dim3A_121 : vector<256x1xf32> to vector<256x8xf32>
      %eq3A_123 = arith.cmpf oeq, %select_n3A_118, %eq3A_122 : vector<256x8xf32>
      %jit3A_124 = arith.constant 8 : i32
      %broadcast_in_dim3A_125 = vector.broadcast %jit3A_124 : i32 to vector<256x8xi32>
      %select_n3A_126 = arith.select %eq3A_123, %iota3A, %broadcast_in_dim3A_125 : vector<256x8xi1>, vector<256x8xi32>
      %reduce_min3A_127 = arith.constant dense<2147483647> : vector<256xi32>
      %reduce_min3A_128 = vector.multi_reduction <minsi>, %select_n3A_126, %reduce_min3A_127 [1] : vector<256x8xi32> to vector<256xi32>
      %broadcast_in_dim3A_129 = vector.shape_cast %reduce_min3A_128 : vector<256xi32> to vector<256x1xi32>
      %eq3A_130 = vector.broadcast %broadcast_in_dim3A_129 : vector<256x1xi32> to vector<256x8xi32>
      %eq3A_131 = arith.cmpi eq, %iota3A, %eq3A_130 : vector<256x8xi32>
      %convert_element_type3A_132 = arith.extui %eq3A_131 : vector<256x8xi1> to vector<256x8xi32>
      %convert_element_type3A_133 = arith.sitofp %convert_element_type3A_132 : vector<256x8xi32> to vector<256x8xf32>
      %add3A_134 = arith.addf %broadcast_in_dim3A_104, %broadcast_in_dim3A_121 : vector<256x1xf32>
      %add3A_135 = arith.constant 9.99999971E-10 : f32
      %add3A_136 = vector.broadcast %add3A_135 : f32 to vector<256x1xf32>
      %add3A_137 = arith.addf %add3A_134, %add3A_136 : vector<256x1xf32>
      %div3A_138 = arith.divf %broadcast_in_dim3A_104, %add3A_137 : vector<256x1xf32>
      %div3A_139 = arith.divf %broadcast_in_dim3A_121, %add3A_137 : vector<256x1xf32>
      %concatenate3A = tpu.concatenate %div3A_138, %div3A_139 in 1 : vector<256x1xf32>, vector<256x1xf32> -> vector<256x2xf32>
      %swap3A_140 = arith.constant 0 : index
      %swap3A_141 = arith.constant 0 : index
      %swap3A_142 = vector.load %arg14[%swap3A_140, %swap3A_141] : memref<256x2xf32, #tpu.memory_space<vmem>>, vector<256x2xf32>
      tpu.vector_store %arg14[%swap3A_140, %swap3A_141], %concatenate3A {strides = array<i32>} : memref<256x2xf32, #tpu.memory_space<vmem>>, vector<256x2xf32>,
      %swap3A_143 = arith.index_cast %mul3A_11 : i32 to index
      %swap3A_144 = arith.constant 0 : index
      %swap3A_145 = vector.load %arg17[%swap3A_143, %swap3A_144] : memref<2048x8xf32, #tpu.memory_space<vmem>>, vector<256x8xf32>
      tpu.vector_store %arg17[%swap3A_143, %swap3A_144], %convert_element_type3A_113 {strides = array<i32>} : memref<2048x8xf32, #tpu.memory_space<vmem>>, vector<256x8xf32>,
      %swap3A_146 = arith.index_cast %mul3A_11 : i32 to index
      %swap3A_147 = arith.constant 0 : index
      %swap3A_148 = vector.load %arg18[%swap3A_146, %swap3A_147] : memref<2048x8xf32, #tpu.memory_space<vmem>>, vector<256x8xf32>
      tpu.vector_store %arg18[%swap3A_146, %swap3A_147], %convert_element_type3A_133 {strides = array<i32>} : memref<2048x8xf32, #tpu.memory_space<vmem>>, vector<256x8xf32>,
      %broadcast_in_dim3A_149 = arith.constant 0.000000e+00 : f32
      %broadcast_in_dim3A_150 = vector.broadcast %broadcast_in_dim3A_149 : f32 to vector<1x8xf32>
      %slice3A = vector.extract_strided_slice %convert_element_type3A_113 {offsets = [0, 0], sizes = [255, 8], strides = [1, 1]} : vector<256x8xf32> to vector<255x8xf32>
      %concatenate3A_151 = tpu.concatenate %broadcast_in_dim3A_150, %slice3A in 0 : vector<1x8xf32>, vector<255x8xf32> -> vector<256x8xf32>
      %add3A_152 = arith.addf %convert_element_type3A_113, %concatenate3A_151 : vector<256x8xf32>
      %slice3A_153 = vector.extract_strided_slice %convert_element_type3A_133 {offsets = [0, 0], sizes = [255, 8], strides = [1, 1]} : vector<256x8xf32> to vector<255x8xf32>
      %concatenate3A_154 = tpu.concatenate %broadcast_in_dim3A_150, %slice3A_153 in 0 : vector<1x8xf32>, vector<255x8xf32> -> vector<256x8xf32>
      %add3A_155 = arith.addf %convert_element_type3A_133, %concatenate3A_154 : vector<256x8xf32>
      %broadcast_in_dim3A_156 = arith.constant 0.000000e+00 : f32
      %broadcast_in_dim3A_157 = vector.broadcast %broadcast_in_dim3A_156 : f32 to vector<2x8xf32>
      %slice3A_158 = vector.extract_strided_slice %add3A_152 {offsets = [0, 0], sizes = [254, 8], strides = [1, 1]} : vector<256x8xf32> to vector<254x8xf32>
      %concatenate3A_159 = tpu.concatenate %broadcast_in_dim3A_157, %slice3A_158 in 0 : vector<2x8xf32>, vector<254x8xf32> -> vector<256x8xf32>
      %add3A_160 = arith.addf %add3A_152, %concatenate3A_159 : vector<256x8xf32>
      %slice3A_161 = vector.extract_strided_slice %add3A_155 {offsets = [0, 0], sizes = [254, 8], strides = [1, 1]} : vector<256x8xf32> to vector<254x8xf32>
      %concatenate3A_162 = tpu.concatenate %broadcast_in_dim3A_157, %slice3A_161 in 0 : vector<2x8xf32>, vector<254x8xf32> -> vector<256x8xf32>
      %add3A_163 = arith.addf %add3A_155, %concatenate3A_162 : vector<256x8xf32>
      %broadcast_in_dim3A_164 = arith.constant 0.000000e+00 : f32
      %broadcast_in_dim3A_165 = vector.broadcast %broadcast_in_dim3A_164 : f32 to vector<4x8xf32>
      %slice3A_166 = vector.extract_strided_slice %add3A_160 {offsets = [0, 0], sizes = [252, 8], strides = [1, 1]} : vector<256x8xf32> to vector<252x8xf32>
      %concatenate3A_167 = tpu.concatenate %broadcast_in_dim3A_165, %slice3A_166 in 0 : vector<4x8xf32>, vector<252x8xf32> -> vector<256x8xf32>
      %add3A_168 = arith.addf %add3A_160, %concatenate3A_167 : vector<256x8xf32>
      %slice3A_169 = vector.extract_strided_slice %add3A_163 {offsets = [0, 0], sizes = [252, 8], strides = [1, 1]} : vector<256x8xf32> to vector<252x8xf32>
      %concatenate3A_170 = tpu.concatenate %broadcast_in_dim3A_165, %slice3A_169 in 0 : vector<4x8xf32>, vector<252x8xf32> -> vector<256x8xf32>
      %add3A_171 = arith.addf %add3A_163, %concatenate3A_170 : vector<256x8xf32>
      %broadcast_in_dim3A_172 = arith.constant 0.000000e+00 : f32
      %broadcast_in_dim3A_173 = vector.broadcast %broadcast_in_dim3A_172 : f32 to vector<8x8xf32>
      %slice3A_174 = vector.extract_strided_slice %add3A_168 {offsets = [0, 0], sizes = [248, 8], strides = [1, 1]} : vector<256x8xf32> to vector<248x8xf32>
      %concatenate3A_175 = tpu.concatenate %broadcast_in_dim3A_173, %slice3A_174 in 0 : vector<8x8xf32>, vector<248x8xf32> -> vector<256x8xf32>
      %add3A_176 = arith.addf %add3A_168, %concatenate3A_175 : vector<256x8xf32>
      %slice3A_177 = vector.extract_strided_slice %add3A_171 {offsets = [0, 0], sizes = [248, 8], strides = [1, 1]} : vector<256x8xf32> to vector<248x8xf32>
      %concatenate3A_178 = tpu.concatenate %broadcast_in_dim3A_173, %slice3A_177 in 0 : vector<8x8xf32>, vector<248x8xf32> -> vector<256x8xf32>
      %add3A_179 = arith.addf %add3A_171, %concatenate3A_178 : vector<256x8xf32>
      %broadcast_in_dim3A_180 = arith.constant 0.000000e+00 : f32
      %broadcast_in_dim3A_181 = vector.broadcast %broadcast_in_dim3A_180 : f32 to vector<16x8xf32>
      %slice3A_182 = vector.extract_strided_slice %add3A_176 {offsets = [0, 0], sizes = [240, 8], strides = [1, 1]} : vector<256x8xf32> to vector<240x8xf32>
      %concatenate3A_183 = tpu.concatenate %broadcast_in_dim3A_181, %slice3A_182 in 0 : vector<16x8xf32>, vector<240x8xf32> -> vector<256x8xf32>
      %add3A_184 = arith.addf %add3A_176, %concatenate3A_183 : vector<256x8xf32>
      %slice3A_185 = vector.extract_strided_slice %add3A_179 {offsets = [0, 0], sizes = [240, 8], strides = [1, 1]} : vector<256x8xf32> to vector<240x8xf32>
      %concatenate3A_186 = tpu.concatenate %broadcast_in_dim3A_181, %slice3A_185 in 0 : vector<16x8xf32>, vector<240x8xf32> -> vector<256x8xf32>
      %add3A_187 = arith.addf %add3A_179, %concatenate3A_186 : vector<256x8xf32>
      %broadcast_in_dim3A_188 = arith.constant 0.000000e+00 : f32
      %broadcast_in_dim3A_189 = vector.broadcast %broadcast_in_dim3A_188 : f32 to vector<32x8xf32>
      %slice3A_190 = vector.extract_strided_slice %add3A_184 {offsets = [0, 0], sizes = [224, 8], strides = [1, 1]} : vector<256x8xf32> to vector<224x8xf32>
      %concatenate3A_191 = tpu.concatenate %broadcast_in_dim3A_189, %slice3A_190 in 0 : vector<32x8xf32>, vector<224x8xf32> -> vector<256x8xf32>
      %add3A_192 = arith.addf %add3A_184, %concatenate3A_191 : vector<256x8xf32>
      %slice3A_193 = vector.extract_strided_slice %add3A_187 {offsets = [0, 0], sizes = [224, 8], strides = [1, 1]} : vector<256x8xf32> to vector<224x8xf32>
      %concatenate3A_194 = tpu.concatenate %broadcast_in_dim3A_189, %slice3A_193 in 0 : vector<32x8xf32>, vector<224x8xf32> -> vector<256x8xf32>
      %add3A_195 = arith.addf %add3A_187, %concatenate3A_194 : vector<256x8xf32>
      %broadcast_in_dim3A_196 = arith.constant 0.000000e+00 : f32
      %broadcast_in_dim3A_197 = vector.broadcast %broadcast_in_dim3A_196 : f32 to vector<64x8xf32>
      %slice3A_198 = vector.extract_strided_slice %add3A_192 {offsets = [0, 0], sizes = [192, 8], strides = [1, 1]} : vector<256x8xf32> to vector<192x8xf32>
      %concatenate3A_199 = tpu.concatenate %broadcast_in_dim3A_197, %slice3A_198 in 0 : vector<64x8xf32>, vector<192x8xf32> -> vector<256x8xf32>
      %add3A_200 = arith.addf %add3A_192, %concatenate3A_199 : vector<256x8xf32>
      %slice3A_201 = vector.extract_strided_slice %add3A_195 {offsets = [0, 0], sizes = [192, 8], strides = [1, 1]} : vector<256x8xf32> to vector<192x8xf32>
      %concatenate3A_202 = tpu.concatenate %broadcast_in_dim3A_197, %slice3A_201 in 0 : vector<64x8xf32>, vector<192x8xf32> -> vector<256x8xf32>
      %add3A_203 = arith.addf %add3A_195, %concatenate3A_202 : vector<256x8xf32>
      %broadcast_in_dim3A_204 = arith.constant 0.000000e+00 : f32
      %broadcast_in_dim3A_205 = vector.broadcast %broadcast_in_dim3A_204 : f32 to vector<128x8xf32>
      %slice3A_206 = vector.extract_strided_slice %add3A_200 {offsets = [0, 0], sizes = [128, 8], strides = [1, 1]} : vector<256x8xf32> to vector<128x8xf32>
      %concatenate3A_207 = tpu.concatenate %broadcast_in_dim3A_205, %slice3A_206 in 0 : vector<128x8xf32>, vector<128x8xf32> -> vector<256x8xf32>
      %add3A_208 = arith.addf %add3A_200, %concatenate3A_207 : vector<256x8xf32>
      %slice3A_209 = vector.extract_strided_slice %add3A_203 {offsets = [0, 0], sizes = [128, 8], strides = [1, 1]} : vector<256x8xf32> to vector<128x8xf32>
      %concatenate3A_210 = tpu.concatenate %broadcast_in_dim3A_205, %slice3A_209 in 0 : vector<128x8xf32>, vector<128x8xf32> -> vector<256x8xf32>
      %add3A_211 = arith.addf %add3A_203, %concatenate3A_210 : vector<256x8xf32>
      %get3A_212 = arith.constant 0 : index
      %get3A_213 = arith.constant 0 : index
      %get3A_214 = vector.load %arg19[%get3A_212, %get3A_213] : memref<1x8xf32, #tpu.memory_space<vmem>>, vector<1x8xf32>
      %add3A_215 = vector.broadcast %get3A_214 : vector<1x8xf32> to vector<256x8xf32>
      %add3A_216 = arith.addf %add3A_208, %add3A_215 : vector<256x8xf32>
      %get3A_217 = arith.constant 0 : index
      %get3A_218 = arith.constant 0 : index
      %get3A_219 = vector.load %arg20[%get3A_217, %get3A_218] : memref<1x8xf32, #tpu.memory_space<vmem>>, vector<1x8xf32>
      %add3A_220 = vector.broadcast %get3A_219 : vector<1x8xf32> to vector<256x8xf32>
      %add3A_221 = arith.addf %add3A_211, %add3A_220 : vector<256x8xf32>
      %swap3A_222 = arith.index_cast %mul3A_11 : i32 to index
      %swap3A_223 = arith.constant 0 : index
      %swap3A_224 = vector.load %arg15[%swap3A_222, %swap3A_223] : memref<2048x8xf32, #tpu.memory_space<vmem>>, vector<256x8xf32>
      tpu.vector_store %arg15[%swap3A_222, %swap3A_223], %add3A_216 {strides = array<i32>} : memref<2048x8xf32, #tpu.memory_space<vmem>>, vector<256x8xf32>,
      %swap3A_225 = arith.index_cast %mul3A_11 : i32 to index
      %swap3A_226 = arith.constant 0 : index
      %swap3A_227 = vector.load %arg16[%swap3A_225, %swap3A_226] : memref<2048x8xf32, #tpu.memory_space<vmem>>, vector<256x8xf32>
      tpu.vector_store %arg16[%swap3A_225, %swap3A_226], %add3A_221 {strides = array<i32>} : memref<2048x8xf32, #tpu.memory_space<vmem>>, vector<256x8xf32>,
      %slice3A_228 = vector.extract_strided_slice %add3A_216 {offsets = [255, 0], sizes = [1, 8], strides = [1, 1]} : vector<256x8xf32> to vector<1x8xf32>
      %swap3A_229 = arith.constant 0 : index
      %swap3A_230 = arith.constant 0 : index
      %swap3A_231 = vector.load %arg19[%swap3A_229, %swap3A_230] : memref<1x8xf32, #tpu.memory_space<vmem>>, vector<1x8xf32>
      tpu.vector_store %arg19[%swap3A_229, %swap3A_230], %slice3A_228 {strides = array<i32>} : memref<1x8xf32, #tpu.memory_space<vmem>>, vector<1x8xf32>,
      %slice3A_232 = vector.extract_strided_slice %add3A_221 {offsets = [255, 0], sizes = [1, 8], strides = [1, 1]} : vector<256x8xf32> to vector<1x8xf32>
      %swap3A_233 = arith.constant 0 : index
      %swap3A_234 = arith.constant 0 : index
      %swap3A_235 = vector.load %arg20[%swap3A_233, %swap3A_234] : memref<1x8xf32, #tpu.memory_space<vmem>>, vector<1x8xf32>
      tpu.vector_store %arg20[%swap3A_233, %swap3A_234], %slice3A_232 {strides = array<i32>} : memref<1x8xf32, #tpu.memory_space<vmem>>, vector<1x8xf32>,
    } else {
    }
    %eq3A_6 = arith.constant 8 : i32
    %eq3A_7 = arith.cmpi eq, %arg0, %eq3A_6 : i32
    %convert_element_type3A_8 = arith.extui %eq3A_7 : i1 to i32
    %cond3A_9 = arith.constant 0 : i32
    %cond3A_10 = arith.cmpi ne, %convert_element_type3A_8, %cond3A_9 : i32
    scf.if %cond3A_10 {
      %get3A = arith.constant 0 : index
      %get3A_11 = arith.constant 0 : index
      %get3A_12 = vector.load %arg19[%get3A, %get3A_11] : memref<1x8xf32, #tpu.memory_space<vmem>>, vector<1x8xf32>
      %get3A_13 = arith.constant 0 : index
      %get3A_14 = arith.constant 0 : index
      %get3A_15 = vector.load %arg20[%get3A_13, %get3A_14] : memref<1x8xf32, #tpu.memory_space<vmem>>, vector<1x8xf32>
      %add3A = arith.addf %get3A_12, %get3A_15 : vector<1x8xf32>
      %convert_element_type3A_16 = arith.fptosi %add3A : vector<1x8xf32> to vector<1x8xi32>
      %add3A_17 = arith.constant 255 : i32
      %add3A_18 = vector.broadcast %add3A_17 : i32 to vector<1x8xi32>
      %add3A_19 = arith.addi %convert_element_type3A_16, %add3A_18 : vector<1x8xi32>
      %jit3A = arith.constant 256 : i32
      %div3A = vector.broadcast %jit3A : i32 to vector<1x8xi32>
      %div3A_20 = arith.divsi %add3A_19, %div3A : vector<1x8xi32>
      %sign3A = arith.constant 0 : i32
      %sign3A_21 = vector.broadcast %sign3A : i32 to vector<1x8xi32>
      %sign3A_22 = arith.cmpi sgt, %add3A_19, %sign3A_21 : vector<1x8xi32>
      %sign3A_23 = arith.extui %sign3A_22 : vector<1x8xi1> to vector<1x8xi32>
      %sign3A_24 = arith.constant 0 : i32
      %sign3A_25 = vector.broadcast %sign3A_24 : i32 to vector<1x8xi32>
      %sign3A_26 = arith.cmpi slt, %add3A_19, %sign3A_25 : vector<1x8xi32>
      %sign3A_27 = arith.extui %sign3A_26 : vector<1x8xi1> to vector<1x8xi32>
      %sign3A_28 = arith.subi %sign3A_23, %sign3A_27 : vector<1x8xi32>
      %sign3A_29 = arith.constant 0 : i32
      %sign3A_30 = arith.cmpi sgt, %jit3A, %sign3A_29 : i32
      %sign3A_31 = arith.extui %sign3A_30 : i1 to i32
      %sign3A_32 = arith.constant 0 : i32
      %sign3A_33 = arith.cmpi slt, %jit3A, %sign3A_32 : i32
      %sign3A_34 = arith.extui %sign3A_33 : i1 to i32
      %sign3A_35 = arith.subi %sign3A_31, %sign3A_34 : i32
      %ne3A = vector.broadcast %sign3A_35 : i32 to vector<1x8xi32>
      %ne3A_36 = arith.cmpi ne, %sign3A_28, %ne3A : vector<1x8xi32>
      %rem3A = vector.broadcast %jit3A : i32 to vector<1x8xi32>
      %rem3A_37 = arith.remsi %add3A_19, %rem3A : vector<1x8xi32>
      %ne3A_38 = arith.constant 0 : i32
      %ne3A_39 = vector.broadcast %ne3A_38 : i32 to vector<1x8xi32>
      %ne3A_40 = arith.cmpi ne, %rem3A_37, %ne3A_39 : vector<1x8xi32>
      %and3A = arith.andi %ne3A_36, %ne3A_40 : vector<1x8xi1>
      %sub3A = arith.constant 1 : i32
      %sub3A_41 = vector.broadcast %sub3A : i32 to vector<1x8xi32>
      %sub3A_42 = arith.subi %div3A_20, %sub3A_41 : vector<1x8xi32>
      %select_n3A = arith.select %and3A, %sub3A_42, %div3A_20 : vector<1x8xi1>, vector<1x8xi32>
      %broadcast_in_dim3A = arith.constant 0 : i32
      %broadcast_in_dim3A_43 = vector.broadcast %broadcast_in_dim3A : i32 to vector<1x1xi32>
      %slice3A = vector.extract_strided_slice %select_n3A {offsets = [0, 0], sizes = [1, 7], strides = [1, 1]} : vector<1x8xi32> to vector<1x7xi32>
      %concatenate3A = tpu.concatenate %broadcast_in_dim3A_43, %slice3A in 1 : vector<1x1xi32>, vector<1x7xi32> -> vector<1x8xi32>
      %add3A_44 = arith.addi %select_n3A, %concatenate3A : vector<1x8xi32>
      %broadcast_in_dim3A_45 = arith.constant 0 : i32
      %broadcast_in_dim3A_46 = vector.broadcast %broadcast_in_dim3A_45 : i32 to vector<1x2xi32>
      %slice3A_47 = vector.extract_strided_slice %add3A_44 {offsets = [0, 0], sizes = [1, 6], strides = [1, 1]} : vector<1x8xi32> to vector<1x6xi32>
      %concatenate3A_48 = tpu.concatenate %broadcast_in_dim3A_46, %slice3A_47 in 1 : vector<1x2xi32>, vector<1x6xi32> -> vector<1x8xi32>
      %add3A_49 = arith.addi %add3A_44, %concatenate3A_48 : vector<1x8xi32>
      %broadcast_in_dim3A_50 = arith.constant 0 : i32
      %broadcast_in_dim3A_51 = vector.broadcast %broadcast_in_dim3A_50 : i32 to vector<1x4xi32>
      %slice3A_52 = vector.extract_strided_slice %add3A_49 {offsets = [0, 0], sizes = [1, 4], strides = [1, 1]} : vector<1x8xi32> to vector<1x4xi32>
      %concatenate3A_53 = tpu.concatenate %broadcast_in_dim3A_51, %slice3A_52 in 1 : vector<1x4xi32>, vector<1x4xi32> -> vector<1x8xi32>
      %add3A_54 = arith.addi %add3A_49, %concatenate3A_53 : vector<1x8xi32>
      %sub3A_55 = arith.subi %add3A_54, %select_n3A : vector<1x8xi32>
      %iota3A = tpu.iota {dimensions = array<i32: 0>} : vector<24x8xi32>
      %broadcast_in_dim3A_56 = vector.shape_cast %sub3A_55 : vector<1x8xi32> to vector<1x8xi32>
      %broadcast_in_dim3A_57 = vector.broadcast %broadcast_in_dim3A_56 : vector<1x8xi32> to vector<24x8xi32>
      %le3A = arith.cmpi sle, %broadcast_in_dim3A_57, %iota3A : vector<24x8xi32>
      %convert_element_type3A_58 = arith.extui %le3A : vector<24x8xi1> to vector<24x8xi32>
      %reduce_sum3A = arith.constant dense<0> : vector<24xi32>
      %reduce_sum3A_59 = vector.multi_reduction <add>, %convert_element_type3A_58, %reduce_sum3A [1] : vector<24x8xi32> to vector<24xi32>
      %broadcast_in_dim3A_60 = vector.shape_cast %reduce_sum3A_59 : vector<24xi32> to vector<24x1xi32>
      %sub3A_61 = arith.constant 1 : i32
      %sub3A_62 = vector.broadcast %sub3A_61 : i32 to vector<24x1xi32>
      %sub3A_63 = arith.subi %broadcast_in_dim3A_60, %sub3A_62 : vector<24x1xi32>
      %swap3A = arith.constant 0 : index
      %swap3A_64 = arith.constant 0 : index
      %swap3A_65 = vector.load %arg13[%swap3A, %swap3A_64] : memref<24x1xi32, #tpu.memory_space<vmem>>, vector<24x1xi32>
      tpu.vector_store %arg13[%swap3A, %swap3A_64], %sub3A_63 {strides = array<i32>} : memref<24x1xi32, #tpu.memory_space<vmem>>, vector<24x1xi32>,
      %convert_element_type3A_66 = arith.sitofp %sub3A_55 : vector<1x8xi32> to vector<1x8xf32>
      %mul3A = arith.constant 2.560000e+02 : f32
      %mul3A_67 = vector.broadcast %mul3A : f32 to vector<1x8xf32>
      %mul3A_68 = arith.mulf %convert_element_type3A_66, %mul3A_67 : vector<1x8xf32>
      %broadcast_in_dim3A_69 = vector.shape_cast %mul3A_68 : vector<1x8xf32> to vector<1x8xf32>
      %broadcast_in_dim3A_70 = vector.broadcast %broadcast_in_dim3A_69 : vector<1x8xf32> to vector<2048x8xf32>
      %broadcast_in_dim3A_71 = vector.shape_cast %get3A_12 : vector<1x8xf32> to vector<1x8xf32>
      %broadcast_in_dim3A_72 = vector.broadcast %broadcast_in_dim3A_71 : vector<1x8xf32> to vector<2048x8xf32>
      %get3A_73 = arith.constant 0 : index
      %get3A_74 = arith.constant 0 : index
      %get3A_75 = vector.load %arg17[%get3A_73, %get3A_74] : memref<2048x8xf32, #tpu.memory_space<vmem>>, vector<2048x8xf32>
      %get3A_76 = arith.constant 0 : index
      %get3A_77 = arith.constant 0 : index
      %get3A_78 = vector.load %arg18[%get3A_76, %get3A_77] : memref<2048x8xf32, #tpu.memory_space<vmem>>, vector<2048x8xf32>
      %mul3A_79 = arith.mulf %get3A_75, %broadcast_in_dim3A_70 : vector<2048x8xf32>
      %reduce_sum3A_80 = arith.constant dense<0.000000e+00> : vector<2048xf32>
      %reduce_sum3A_81 = vector.multi_reduction <add>, %mul3A_79, %reduce_sum3A_80 [1] : vector<2048x8xf32> to vector<2048xf32>
      %broadcast_in_dim3A_82 = vector.shape_cast %reduce_sum3A_81 : vector<2048xf32> to vector<2048x1xf32>
      %get3A_83 = arith.constant 0 : index
      %get3A_84 = arith.constant 0 : index
      %get3A_85 = vector.load %arg15[%get3A_83, %get3A_84] : memref<2048x8xf32, #tpu.memory_space<vmem>>, vector<2048x8xf32>
      %mul3A_86 = arith.mulf %get3A_75, %get3A_85 : vector<2048x8xf32>
      %reduce_sum3A_87 = arith.constant dense<0.000000e+00> : vector<2048xf32>
      %reduce_sum3A_88 = vector.multi_reduction <add>, %mul3A_86, %reduce_sum3A_87 [1] : vector<2048x8xf32> to vector<2048xf32>
      %broadcast_in_dim3A_89 = vector.shape_cast %reduce_sum3A_88 : vector<2048xf32> to vector<2048x1xf32>
      %add3A_90 = arith.addf %broadcast_in_dim3A_82, %broadcast_in_dim3A_89 : vector<2048x1xf32>
      %sub3A_91 = arith.constant 1.000000e+00 : f32
      %sub3A_92 = vector.broadcast %sub3A_91 : f32 to vector<2048x1xf32>
      %sub3A_93 = arith.subf %add3A_90, %sub3A_92 : vector<2048x1xf32>
      %mul3A_94 = arith.mulf %get3A_78, %broadcast_in_dim3A_70 : vector<2048x8xf32>
      %reduce_sum3A_95 = arith.constant dense<0.000000e+00> : vector<2048xf32>
      %reduce_sum3A_96 = vector.multi_reduction <add>, %mul3A_94, %reduce_sum3A_95 [1] : vector<2048x8xf32> to vector<2048xf32>
      %broadcast_in_dim3A_97 = vector.shape_cast %reduce_sum3A_96 : vector<2048xf32> to vector<2048x1xf32>
      %mul3A_98 = arith.mulf %get3A_78, %broadcast_in_dim3A_72 : vector<2048x8xf32>
      %reduce_sum3A_99 = arith.constant dense<0.000000e+00> : vector<2048xf32>
      %reduce_sum3A_100 = vector.multi_reduction <add>, %mul3A_98, %reduce_sum3A_99 [1] : vector<2048x8xf32> to vector<2048xf32>
      %broadcast_in_dim3A_101 = vector.shape_cast %reduce_sum3A_100 : vector<2048xf32> to vector<2048x1xf32>
      %add3A_102 = arith.addf %broadcast_in_dim3A_97, %broadcast_in_dim3A_101 : vector<2048x1xf32>
      %get3A_103 = arith.constant 0 : index
      %get3A_104 = arith.constant 0 : index
      %get3A_105 = vector.load %arg16[%get3A_103, %get3A_104] : memref<2048x8xf32, #tpu.memory_space<vmem>>, vector<2048x8xf32>
      %mul3A_106 = arith.mulf %get3A_78, %get3A_105 : vector<2048x8xf32>
      %reduce_sum3A_107 = arith.constant dense<0.000000e+00> : vector<2048xf32>
      %reduce_sum3A_108 = vector.multi_reduction <add>, %mul3A_106, %reduce_sum3A_107 [1] : vector<2048x8xf32> to vector<2048xf32>
      %broadcast_in_dim3A_109 = vector.shape_cast %reduce_sum3A_108 : vector<2048xf32> to vector<2048x1xf32>
      %add3A_110 = arith.addf %add3A_102, %broadcast_in_dim3A_109 : vector<2048x1xf32>
      %sub3A_111 = arith.constant 1.000000e+00 : f32
      %sub3A_112 = vector.broadcast %sub3A_111 : f32 to vector<2048x1xf32>
      %sub3A_113 = arith.subf %add3A_110, %sub3A_112 : vector<2048x1xf32>
      %concatenate3A_114 = tpu.concatenate %sub3A_93, %sub3A_113 in 1 : vector<2048x1xf32>, vector<2048x1xf32> -> vector<2048x2xf32>
      %convert_element_type3A_115 = arith.fptosi %concatenate3A_114 : vector<2048x2xf32> to vector<2048x2xi32>
      %swap3A_116 = arith.constant 0 : index
      %swap3A_117 = arith.constant 0 : index
      %swap3A_118 = vector.load %arg12[%swap3A_116, %swap3A_117] : memref<2048x2xi32, #tpu.memory_space<vmem>>, vector<2048x2xi32>
      tpu.vector_store %arg12[%swap3A_116, %swap3A_117], %convert_element_type3A_115 {strides = array<i32>} : memref<2048x2xi32, #tpu.memory_space<vmem>>, vector<2048x2xi32>,
    } else {
    }
    return
  }
  func.func @transform_0(%arg0: i32) -> (i32, i32) {
    %min3A = arith.constant 7 : i32
    %min3A_0 = arith.minsi %arg0, %min3A : i32
    %c0_i32 = arith.constant 0 : i32
    %c0_i32_1 = arith.constant 0 : i32
    return %min3A_0, %c0_i32 : i32, i32
  }
  func.func @transform_1(%arg0: i32) -> (i32, i32) {
    %min3A = arith.constant 7 : i32
    %min3A_0 = arith.minsi %arg0, %min3A : i32
    %c0_i32 = arith.constant 0 : i32
    %c0_i32_1 = arith.constant 0 : i32
    return %min3A_0, %c0_i32 : i32, i32
  }
  func.func @transform_2(%arg0: i32) -> (i32, i32) {
    %min3A = arith.constant 7 : i32
    %min3A_0 = arith.minsi %arg0, %min3A : i32
    %add3A = arith.constant 8 : i32
    %add3A_1 = arith.addi %min3A_0, %add3A : i32
    %c0_i32 = arith.constant 0 : i32
    %c0_i32_2 = arith.constant 0 : i32
    return %add3A_1, %c0_i32 : i32, i32
  }
  func.func @transform_3(%arg0: i32) -> (i32, i32) {
    %min3A = arith.constant 7 : i32
    %min3A_0 = arith.minsi %arg0, %min3A : i32
    %c0_i32 = arith.constant 0 : i32
    %c0_i32_1 = arith.constant 0 : i32
    return %min3A_0, %c0_i32 : i32, i32
  }
  func.func @transform_4(%arg0: i32) -> (i32, i32) {
    %min3A = arith.constant 7 : i32
    %min3A_0 = arith.minsi %arg0, %min3A : i32
    %c0_i32 = arith.constant 0 : i32
    %c0_i32_1 = arith.constant 0 : i32
    return %min3A_0, %c0_i32 : i32, i32
  }
  func.func @transform_5(%arg0: i32) -> (i32, i32) {
    %c0_i32 = arith.constant 0 : i32
    %c0_i32_0 = arith.constant 0 : i32
    %c0_i32_1 = arith.constant 0 : i32
    return %c0_i32, %c0_i32_0 : i32, i32
  }
  func.func @transform_6(%arg0: i32) -> (i32, i32) {
    %c0_i32 = arith.constant 0 : i32
    %c0_i32_0 = arith.constant 0 : i32
    %c0_i32_1 = arith.constant 0 : i32
    return %c0_i32, %c0_i32_0 : i32, i32
  }
  func.func @transform_7(%arg0: i32) -> (i32, i32) {
    %c0_i32 = arith.constant 0 : i32
    %c0_i32_0 = arith.constant 0 : i32
    %c0_i32_1 = arith.constant 0 : i32
    return %c0_i32, %c0_i32_0 : i32, i32
  }
  func.func @transform_8(%arg0: i32) -> (i32, i32) {
    %c0_i32 = arith.constant 0 : i32
    %c0_i32_0 = arith.constant 0 : i32
    %c0_i32_1 = arith.constant 0 : i32
    return %c0_i32, %c0_i32_0 : i32, i32
  }
  func.func @transform_9(%arg0: i32) -> (i32, i32) {
    %min3A = arith.constant 7 : i32
    %min3A_0 = arith.minsi %arg0, %min3A : i32
    %c0_i32 = arith.constant 0 : i32
    %c0_i32_1 = arith.constant 0 : i32
    return %min3A_0, %c0_i32 : i32, i32
  }
  func.func @transform_10(%arg0: i32) -> (i32, i32) {
    %min3A = arith.constant 7 : i32
    %min3A_0 = arith.minsi %arg0, %min3A : i32
    %c0_i32 = arith.constant 0 : i32
    %c0_i32_1 = arith.constant 0 : i32
    return %min3A_0, %c0_i32 : i32, i32
  }
  func.func @transform_11(%arg0: i32) -> (i32, i32) {
    %c0_i32 = arith.constant 0 : i32
    %c0_i32_0 = arith.constant 0 : i32
    %c0_i32_1 = arith.constant 0 : i32
    return %c0_i32, %c0_i32_0 : i32, i32
  }
  func.func @transform_12(%arg0: i32) -> (i32, i32) {
    %c0_i32 = arith.constant 0 : i32
    %c0_i32_0 = arith.constant 0 : i32
    %c0_i32_1 = arith.constant 0 : i32
    return %c0_i32, %c0_i32_0 : i32, i32
  }
  func.func @transform_13(%arg0: i32) -> (i32, i32) {
    %min3A = arith.constant 7 : i32
    %min3A_0 = arith.minsi %arg0, %min3A : i32
    %c0_i32 = arith.constant 0 : i32
    %c0_i32_1 = arith.constant 0 : i32
    return %min3A_0, %c0_i32 : i32, i32
  }
}

module attributes {stable_mosaic.version = 14 : i64} {
  func.func @_gemm_body(%arg0: i32, %arg1: i32, %arg2: memref<24xi32, #tpu.memory_space<smem>>, %arg3: memref<256x1024xbf16, #tpu.memory_space<vmem>>, %arg4: memref<1x1024x1024xbf16, #tpu.memory_space<vmem>>, %arg5: memref<1x1x1024xf32, #tpu.memory_space<vmem>>, %arg6: memref<1x1024x1024xbf16, #tpu.memory_space<vmem>>, %arg7: memref<1x1x1024xf32, #tpu.memory_space<vmem>>, %arg8: memref<256x1024xbf16, #tpu.memory_space<vmem>>) attributes {dimension_semantics = [#tpu.dimension_semantics<parallel>, #tpu.dimension_semantics<arbitrary>], iteration_bounds = array<i64: 2, 12>, scalar_prefetch = 1 : i64, scratch_operands = 0 : i64, tpu.core_type = #tpu.core_type<tc>, window_params = [{transform_indices = @transform_0, window_bounds = array<i64: 256, 1024>}, {transform_indices = @transform_1, window_bounds = array<i64: 1, 1024, 1024>}, {transform_indices = @transform_2, window_bounds = array<i64: 1, 1, 1024>}, {transform_indices = @transform_3, window_bounds = array<i64: 1, 1024, 1024>}, {transform_indices = @transform_4, window_bounds = array<i64: 1, 1, 1024>}, {transform_indices = @transform_5, window_bounds = array<i64: 256, 1024>}]} {
    %get3A = arith.constant 0 : index
    %get3A_0 = arith.constant 0 : index
    %get3A_1 = vector.load %arg3[%get3A, %get3A_0] : memref<256x1024xbf16, #tpu.memory_space<vmem>>, vector<256x1024xbf16>
    %get3A_2 = arith.constant 0 : index
    %get3A_3 = arith.constant 0 : index
    %get3A_4 = arith.constant 0 : index
    %get3A_5 = vector.load %arg4[%get3A_2, %get3A_3, %get3A_4] : memref<1x1024x1024xbf16, #tpu.memory_space<vmem>>, vector<1x1024x1024xbf16>
    %get3A_6 = vector.shape_cast %get3A_5 : vector<1x1024x1024xbf16> to vector<1024x1024xbf16>
    %dot_general3A = arith.constant dense<0.000000e+00> : vector<256x1024xf32>
    %dot_general3A_7 = tpu.matmul %get3A_1, %get3A_6, %dot_general3A {dimension_numbers = #tpu.dot_dimension_numbers<[1], [0], [0], [1], [0, 0, 1, 1], [], []>, transpose_lhs_hint = false} : vector<256x1024xbf16>, vector<1024x1024xbf16>, vector<256x1024xf32> -> vector<256x1024xf32>
    %get3A_8 = arith.constant 0 : index
    %get3A_9 = arith.constant 0 : index
    %get3A_10 = arith.constant 0 : index
    %get3A_11 = vector.load %arg5[%get3A_8, %get3A_9, %get3A_10] : memref<1x1x1024xf32, #tpu.memory_space<vmem>>, vector<1x1x1024xf32>
    %get3A_12 = vector.shape_cast %get3A_11 : vector<1x1x1024xf32> to vector<1x1024xf32>
    %add3A = vector.broadcast %get3A_12 : vector<1x1024xf32> to vector<256x1024xf32>
    %add3A_13 = arith.addf %dot_general3A_7, %add3A : vector<256x1024xf32>
    %integer_pow3A = arith.mulf %add3A_13, %add3A_13 : vector<256x1024xf32>
    %integer_pow3A_14 = arith.mulf %add3A_13, %integer_pow3A : vector<256x1024xf32>
    %mul3A = arith.constant 4.471500e-02 : f32
    %mul3A_15 = vector.broadcast %mul3A : f32 to vector<256x1024xf32>
    %mul3A_16 = arith.mulf %mul3A_15, %integer_pow3A_14 : vector<256x1024xf32>
    %add3A_17 = arith.addf %add3A_13, %mul3A_16 : vector<256x1024xf32>
    %mul3A_18 = arith.constant 0.797884583 : f32
    %mul3A_19 = vector.broadcast %mul3A_18 : f32 to vector<256x1024xf32>
    %mul3A_20 = arith.mulf %mul3A_19, %add3A_17 : vector<256x1024xf32>
    %tanh3A = math.tanh %mul3A_20 : vector<256x1024xf32>
    %add3A_21 = arith.constant 1.000000e+00 : f32
    %add3A_22 = vector.broadcast %add3A_21 : f32 to vector<256x1024xf32>
    %add3A_23 = arith.addf %add3A_22, %tanh3A : vector<256x1024xf32>
    %mul3A_24 = arith.constant 5.000000e-01 : f32
    %mul3A_25 = vector.broadcast %mul3A_24 : f32 to vector<256x1024xf32>
    %mul3A_26 = arith.mulf %mul3A_25, %add3A_23 : vector<256x1024xf32>
    %mul3A_27 = arith.mulf %add3A_13, %mul3A_26 : vector<256x1024xf32>
    %convert_element_type3A = arith.truncf %mul3A_27 : vector<256x1024xf32> to vector<256x1024xbf16>
    %get3A_28 = arith.constant 0 : index
    %get3A_29 = arith.constant 0 : index
    %get3A_30 = arith.constant 0 : index
    %get3A_31 = vector.load %arg6[%get3A_28, %get3A_29, %get3A_30] : memref<1x1024x1024xbf16, #tpu.memory_space<vmem>>, vector<1x1024x1024xbf16>
    %get3A_32 = vector.shape_cast %get3A_31 : vector<1x1024x1024xbf16> to vector<1024x1024xbf16>
    %dot_general3A_33 = arith.constant dense<0.000000e+00> : vector<256x1024xf32>
    %dot_general3A_34 = tpu.matmul %convert_element_type3A, %get3A_32, %dot_general3A_33 {dimension_numbers = #tpu.dot_dimension_numbers<[1], [0], [0], [1], [0, 0, 1, 1], [], []>, transpose_lhs_hint = false} : vector<256x1024xbf16>, vector<1024x1024xbf16>, vector<256x1024xf32> -> vector<256x1024xf32>
    %get3A_35 = arith.constant 0 : index
    %get3A_36 = arith.constant 0 : index
    %get3A_37 = arith.constant 0 : index
    %get3A_38 = vector.load %arg7[%get3A_35, %get3A_36, %get3A_37] : memref<1x1x1024xf32, #tpu.memory_space<vmem>>, vector<1x1x1024xf32>
    %get3A_39 = vector.shape_cast %get3A_38 : vector<1x1x1024xf32> to vector<1x1024xf32>
    %add3A_40 = vector.broadcast %get3A_39 : vector<1x1024xf32> to vector<256x1024xf32>
    %add3A_41 = arith.addf %dot_general3A_34, %add3A_40 : vector<256x1024xf32>
    %convert_element_type3A_42 = arith.truncf %add3A_41 : vector<256x1024xf32> to vector<256x1024xbf16>
    %swap3A = arith.constant 0 : index
    %swap3A_43 = arith.constant 0 : index
    %swap3A_44 = vector.load %arg8[%swap3A, %swap3A_43] : memref<256x1024xbf16, #tpu.memory_space<vmem>>, vector<256x1024xbf16>
    tpu.vector_store %arg8[%swap3A, %swap3A_43], %convert_element_type3A_42 {strides = array<i32>} : memref<256x1024xbf16, #tpu.memory_space<vmem>>, vector<256x1024xbf16>,
    return
  }
  func.func @transform_0(%arg0: i32, %arg1: i32, %arg2: memref<24xi32, #tpu.memory_space<smem>>) -> (i32, i32) {
    %mul3A = arith.constant 12 : i32
    %mul3A_0 = arith.muli %arg0, %mul3A : i32
    %add3A = arith.addi %mul3A_0, %arg1 : i32
    %c0_i32 = arith.constant 0 : i32
    %c0_i32_1 = arith.constant 0 : i32
    return %add3A, %c0_i32 : i32, i32
  }
  func.func @transform_1(%arg0: i32, %arg1: i32, %arg2: memref<24xi32, #tpu.memory_space<smem>>) -> (i32, i32, i32) {
    %mul3A = arith.constant 12 : i32
    %mul3A_0 = arith.muli %arg0, %mul3A : i32
    %add3A = arith.addi %mul3A_0, %arg1 : i32
    %get3A = arith.index_cast %add3A : i32 to index
    %get3A_1 = memref.load %arg2[%get3A] : memref<24xi32, #tpu.memory_space<smem>>
    %c0_i32 = arith.constant 0 : i32
    %c0_i32_2 = arith.constant 0 : i32
    %c0_i32_3 = arith.constant 0 : i32
    return %get3A_1, %c0_i32, %c0_i32_2 : i32, i32, i32
  }
  func.func @transform_2(%arg0: i32, %arg1: i32, %arg2: memref<24xi32, #tpu.memory_space<smem>>) -> (i32, i32, i32) {
    %mul3A = arith.constant 12 : i32
    %mul3A_0 = arith.muli %arg0, %mul3A : i32
    %add3A = arith.addi %mul3A_0, %arg1 : i32
    %get3A = arith.index_cast %add3A : i32 to index
    %get3A_1 = memref.load %arg2[%get3A] : memref<24xi32, #tpu.memory_space<smem>>
    %c0_i32 = arith.constant 0 : i32
    %c0_i32_2 = arith.constant 0 : i32
    %c0_i32_3 = arith.constant 0 : i32
    return %get3A_1, %c0_i32, %c0_i32_2 : i32, i32, i32
  }
  func.func @transform_3(%arg0: i32, %arg1: i32, %arg2: memref<24xi32, #tpu.memory_space<smem>>) -> (i32, i32, i32) {
    %mul3A = arith.constant 12 : i32
    %mul3A_0 = arith.muli %arg0, %mul3A : i32
    %add3A = arith.addi %mul3A_0, %arg1 : i32
    %get3A = arith.index_cast %add3A : i32 to index
    %get3A_1 = memref.load %arg2[%get3A] : memref<24xi32, #tpu.memory_space<smem>>
    %c0_i32 = arith.constant 0 : i32
    %c0_i32_2 = arith.constant 0 : i32
    %c0_i32_3 = arith.constant 0 : i32
    return %get3A_1, %c0_i32, %c0_i32_2 : i32, i32, i32
  }
  func.func @transform_4(%arg0: i32, %arg1: i32, %arg2: memref<24xi32, #tpu.memory_space<smem>>) -> (i32, i32, i32) {
    %mul3A = arith.constant 12 : i32
    %mul3A_0 = arith.muli %arg0, %mul3A : i32
    %add3A = arith.addi %mul3A_0, %arg1 : i32
    %get3A = arith.index_cast %add3A : i32 to index
    %get3A_1 = memref.load %arg2[%get3A] : memref<24xi32, #tpu.memory_space<smem>>
    %c0_i32 = arith.constant 0 : i32
    %c0_i32_2 = arith.constant 0 : i32
    %c0_i32_3 = arith.constant 0 : i32
    return %get3A_1, %c0_i32, %c0_i32_2 : i32, i32, i32
  }
  func.func @transform_5(%arg0: i32, %arg1: i32, %arg2: memref<24xi32, #tpu.memory_space<smem>>) -> (i32, i32) {
    %mul3A = arith.constant 12 : i32
    %mul3A_0 = arith.muli %arg0, %mul3A : i32
    %add3A = arith.addi %mul3A_0, %arg1 : i32
    %c0_i32 = arith.constant 0 : i32
    %c0_i32_1 = arith.constant 0 : i32
    return %add3A, %c0_i32 : i32, i32
  }
}

module attributes {stable_mosaic.version = 14 : i64} {
  func.func @_final_body(%arg0: i32, %arg1: memref<256x1024xf32, #tpu.memory_space<vmem>>, %arg2: memref<256x1024xbf16, #tpu.memory_space<vmem>>, %arg3: memref<256x1024xbf16, #tpu.memory_space<vmem>>, %arg4: memref<256x2xf32, #tpu.memory_space<vmem>>, %arg5: memref<256x1024xf32, #tpu.memory_space<vmem>>) attributes {dimension_semantics = [#tpu.dimension_semantics<arbitrary>], iteration_bounds = array<i64: 8>, scalar_prefetch = 0 : i64, scratch_operands = 0 : i64, tpu.core_type = #tpu.core_type<tc>, window_params = [{transform_indices = @transform_0, window_bounds = array<i64: 256, 1024>}, {transform_indices = @transform_1, window_bounds = array<i64: 256, 1024>}, {transform_indices = @transform_2, window_bounds = array<i64: 256, 1024>}, {transform_indices = @transform_3, window_bounds = array<i64: 256, 2>}, {transform_indices = @transform_4, window_bounds = array<i64: 256, 1024>}]} {
    %get3A = arith.constant 0 : index
    %get3A_0 = arith.constant 0 : index
    %get3A_1 = vector.load %arg1[%get3A, %get3A_0] : memref<256x1024xf32, #tpu.memory_space<vmem>>, vector<256x1024xf32>
    %get3A_2 = arith.constant 0 : index
    %get3A_3 = arith.constant 0 : index
    %get3A_4 = vector.load %arg4[%get3A_2, %get3A_3] : memref<256x2xf32, #tpu.memory_space<vmem>>, vector<256x1xf32>
    %get3A_5 = arith.constant 0 : index
    %get3A_6 = arith.constant 0 : index
    %get3A_7 = vector.load %arg2[%get3A_5, %get3A_6] : memref<256x1024xbf16, #tpu.memory_space<vmem>>, vector<256x1024xbf16>
    %convert_element_type3A = arith.extf %get3A_7 : vector<256x1024xbf16> to vector<256x1024xf32>
    %mul3A = vector.broadcast %get3A_4 : vector<256x1xf32> to vector<256x1024xf32>
    %mul3A_8 = arith.mulf %mul3A, %convert_element_type3A : vector<256x1024xf32>
    %add3A = arith.addf %get3A_1, %mul3A_8 : vector<256x1024xf32>
    %get3A_9 = arith.constant 0 : index
    %get3A_10 = arith.constant 1 : index
    %get3A_11 = vector.load %arg4[%get3A_9, %get3A_10] : memref<256x2xf32, #tpu.memory_space<vmem>>, vector<256x1xf32>
    %get3A_12 = arith.constant 0 : index
    %get3A_13 = arith.constant 0 : index
    %get3A_14 = vector.load %arg3[%get3A_12, %get3A_13] : memref<256x1024xbf16, #tpu.memory_space<vmem>>, vector<256x1024xbf16>
    %convert_element_type3A_15 = arith.extf %get3A_14 : vector<256x1024xbf16> to vector<256x1024xf32>
    %mul3A_16 = vector.broadcast %get3A_11 : vector<256x1xf32> to vector<256x1024xf32>
    %mul3A_17 = arith.mulf %mul3A_16, %convert_element_type3A_15 : vector<256x1024xf32>
    %add3A_18 = arith.addf %add3A, %mul3A_17 : vector<256x1024xf32>
    %swap3A = arith.constant 0 : index
    %swap3A_19 = arith.constant 0 : index
    %swap3A_20 = vector.load %arg5[%swap3A, %swap3A_19] : memref<256x1024xf32, #tpu.memory_space<vmem>>, vector<256x1024xf32>
    tpu.vector_store %arg5[%swap3A, %swap3A_19], %add3A_18 {strides = array<i32>} : memref<256x1024xf32, #tpu.memory_space<vmem>>, vector<256x1024xf32>,
    return
  }
  func.func @transform_0(%arg0: i32) -> (i32, i32) {
    %c0_i32 = arith.constant 0 : i32
    %c0_i32_0 = arith.constant 0 : i32
    return %arg0, %c0_i32 : i32, i32
  }
  func.func @transform_1(%arg0: i32) -> (i32, i32) {
    %c0_i32 = arith.constant 0 : i32
    %c0_i32_0 = arith.constant 0 : i32
    return %arg0, %c0_i32 : i32, i32
  }
  func.func @transform_2(%arg0: i32) -> (i32, i32) {
    %add3A = arith.constant 8 : i32
    %add3A_0 = arith.addi %arg0, %add3A : i32
    %c0_i32 = arith.constant 0 : i32
    %c0_i32_1 = arith.constant 0 : i32
    return %add3A_0, %c0_i32 : i32, i32
  }
  func.func @transform_3(%arg0: i32) -> (i32, i32) {
    %c0_i32 = arith.constant 0 : i32
    %c0_i32_0 = arith.constant 0 : i32
    return %arg0, %c0_i32 : i32, i32
  }
  func.func @transform_4(%arg0: i32) -> (i32, i32) {
    %c0_i32 = arith.constant 0 : i32
    %c0_i32_0 = arith.constant 0 : i32
    return %arg0, %c0_i32 : i32, i32
  }
}

</mosaic_0001>

<sc_bundles>
// kernel: kernel.15.cloned.1.call-start
scs
__scs_entry_jumppad:
0x0: {  	(pc) =	sbr.rel $0x88, $3  }
0x1: {  	(tag) =	ssettag $0x0;
	lr =	simm.s32 $0x1  }
0x2: {  	[smem:$0x3F87] =	sst lr;
	_ =	strace $0xD0000000  }
0x3: {  	_ = 	snop  }
0x4: {  	_ = 	snop  }
0x5: {  	_ = 	snop  }
0x6: {  	_ = 	snop  }
0x7: {  	_ = 	snop  }
__scs_overlays_trampoline_lowered:
0x8: {  	[smem:$0x3F96] =	sst s0  }
0x9: {  	[smem:$0x3F97] =	sst s1  }
0xa: {  	[smem:$0x3F98] =	sst s2  }
0xb: {  	[smem:$0x3F99] =	sst s3  }
0xc: {  	[smem:$0x3F9A] =	sst s4  }
0xd: {  	[smem:$0x3F9B] =	sst s5  }
0xe: {  	[smem:$0x3F9C] =	sst s6  }
0xf: {  	[smem:$0x3F9D] =	sst s7  }
0x10: {  	[smem:$0x3F9E] =	sst s8  }
0x11: {  	[smem:$0x3F9F] =	sst s9;
	s0 =	simm.s32 @!p0 $0x0  }
0x12: {  	s1 =	sld [smem:$0x3F85];
	s0 =	simm.s32 @p0 $0x1  }
0x13: {  	[smem:$0x3FA0] =	sst s0;
	s0 =	simm.s32 @!p1 $0x0  }
0x14: {  	s2 =	sld [smem:$0x3F84];
	s0 =	simm.s32 @p1 $0x1  }
0x15: {  	[smem:$0x3FA1] =	sst s0;
	s0 =	simm.s32 @!p2 $0x0  }
0x16: {  	s3 =	sld [smem:$0x3FDB];
	s0 =	simm.s32 @p2 $0x1  }
0x17: {  	s4 =	simm.s32 $0x1BF5;
	[smem:$0x3FA3] =	sst s0  }
0x18: {  	s0 =	sld [smem:$0x3F86];
	_ =	swait.ge [sflag:s4], $0x0  }
0x19: {  	s7 =	sld [smem:$0x3F87]  }
0x1a: {  	s8 =	sadd.s32 $0xFFFFE003, lr  }
0x1b: {  	s9 =	sadd.s32 $0xFFFFFEF7, lr;
	s5 =	simm.s32 $0xFFFFFFFF;
	p2 =	slt.u32 s8, $0xFFFFF086  }
0x1c: {  	p1 =	slt.u32 s9, $0xF7A;
	s5 =	simm.s32 @!p2 $0x0  }
0x1d: {  	s5 =	simm.s32 @p1 $0x1;
	p0 =	seq.s32 s7, s2  }
0x1e: {  	s7 =	smul.u32 @!p0 $0xF7A, s2;
	p2 =	seq.s32 @!p0 s5, $0x0  }
0x1f: {  	s9 =	smul.u32 $0xF7A, s1;
	s8 =	simm.s32 @!p0 $0x1BF5;
	p2 =	por !p2, p0  }
0x20: {  	[sflag:s8] =	ssyncset.s32 @!p0 $0xFFFFF086;
	s6 =	sadd.s32 @!p0 s3, s7;
	s7 =	simm.s32 @!p0 $0x108  }
0x21: {  	s3 =	sadd.s32 s3, s9;
	s6 =	sadd.s32 @!p0 $0x88, s6;
	s7 =	simm.s32 @p2 $0x1082  }
0x22: {  	[simem:s7], [sflag:s8] =	dma.local @!p0 [hbm:s6], $0xF7A  }
0x23: {  	s9 =	sor.u32 $0xD0000000, s2;
	s6 =	simm.s32 $0x108;
	_ =	swait.ge @!p0 [sflag:s8], $0x0  }
0x24: {  	s3 =	sadd.s32 $0x88, s3;
	s6 =	simm.s32 @!p1 $0x1082;
	[sflag:s4] =	ssyncset.s32 $0xFFFFF086  }
0x25: {  	[simem:s6], [sflag:s4] =	dma.local [hbm:s3], $0xF7A  }
0x26: {  	[smem:$0x3F87] =	sst s1;
	(tag) =	ssettag s2;
	_ =	strace s9  }
0x27: {  	s1 =	sld [smem:$0x3F97]  }
0x28: {  	s2 =	sld [smem:$0x3F98]  }
0x29: {  	s4 =	sld [smem:$0x3F9A]  }
0x2a: {  	p0 =	seq.s32 s5, $0x0;
	s5 =	sld [smem:$0x3F9B]  }
0x2b: {  	s6 =	sld [smem:$0x3F9C]  }
0x2c: {  	s7 =	sld [smem:$0x3F9D]  }
0x2d: {  	s3 =	simm.s32 $0x108;
	s8 =	sld [smem:$0x3F9E]  }
0x2e: {  	s3 =	simm.s32 @!p0 $0x1082;
	s9 =	sld [smem:$0x3F9F]  }
0x2f: {  	lr =	sadd.s32 s0, s3;
	s0 =	sld [smem:$0x3F96]  }
0x30: {  	s3 =	sld [smem:$0x3F99]  }
0x31: {  	[smem:$0x3FA2] =	sst s10  }
0x32: {  	s10 =	sld [smem:$0x3FA0];
	_ =	sdelay $0x3  }
0x33: {  	p0 =	seq.s32 s10, $0x1;
	s10 =	sld [smem:$0x3FA2];
	_ =	sdelay $0x3  }
0x34: {  	[smem:$0x3FA2] =	sst s10  }
0x35: {  	s10 =	sld [smem:$0x3FA1];
	_ =	sdelay $0x3  }
0x36: {  	p1 =	seq.s32 s10, $0x1;
	s10 =	sld [smem:$0x3FA2];
	_ =	sdelay $0x3  }
0x37: {  	[smem:$0x3FA2] =	sst s10  }
0x38: {  	s10 =	sld [smem:$0x3FA3]  }
0x39: {  	_ = 	snop;
	(pc) =	sbr.ind lr, $3  }
0x3a: {  	_ = 	snop  }
0x3b: {  	_ = 	snop  }
0x3c: {  	p2 =	seq.s32 s10, $0x1;
	s10 =	sld [smem:$0x3FA2]  }
0x3d: {  	_ =	shalt  }
0x3e: {  	_ =	shalt  }
0x3f: {  	_ =	shalt  }
0x40: {  	_ =	shalt  }
0x41: {  	_ =	shalt  }
0x42: {  	_ =	shalt  }
0x43: {  	_ =	shalt  }
0x44: {  	_ =	shalt  }
0x45: {  	_ =	shalt  }
0x46: {  	_ =	shalt  }
0x47: {  	_ =	shalt  }
0x48: {  	_ =	shalt  }
0x49: {  	_ =	shalt  }
0x4a: {  	_ =	shalt  }
0x4b: {  	_ =	shalt  }
0x4c: {  	_ =	shalt  }
0x4d: {  	_ =	shalt  }
0x4e: {  	_ =	shalt  }
0x4f: {  	_ =	shalt  }
0x50: {  	_ =	shalt  }
0x51: {  	_ =	shalt  }
0x52: {  	_ =	shalt  }
0x53: {  	_ =	shalt  }
0x54: {  	_ =	shalt  }
0x55: {  	_ =	shalt  }
0x56: {  	_ =	shalt  }
0x57: {  	_ =	shalt  }
0x58: {  	_ =	shalt  }
0x59: {  	_ =	shalt  }
0x5a: {  	_ =	shalt  }
0x5b: {  	_ =	shalt  }
0x5c: {  	_ =	shalt  }
0x5d: {  	_ =	shalt  }
0x5e: {  	_ =	shalt  }
0x5f: {  	_ =	shalt  }
0x60: {  	_ =	shalt  }
0x61: {  	_ =	shalt  }
0x62: {  	_ =	shalt  }
0x63: {  	_ =	shalt  }
0x64: {  	_ =	shalt  }
0x65: {  	_ =	shalt  }
0x66: {  	_ =	shalt  }
0x67: {  	_ =	shalt  }
0x68: {  	_ =	shalt  }
0x69: {  	_ =	shalt  }
0x6a: {  	_ =	shalt  }
0x6b: {  	_ =	shalt  }
0x6c: {  	_ =	shalt  }
0x6d: {  	_ =	shalt  }
0x6e: {  	_ =	shalt  }
0x6f: {  	_ =	shalt  }
0x70: {  	_ =	shalt  }
0x71: {  	_ =	shalt  }
0x72: {  	_ =	shalt  }
0x73: {  	_ =	shalt  }
0x74: {  	_ =	shalt  }
0x75: {  	_ =	shalt  }
0x76: {  	_ =	shalt  }
0x77: {  	_ =	shalt  }
0x78: {  	_ =	shalt  }
0x79: {  	_ =	shalt  }
0x7a: {  	_ =	shalt  }
0x7b: {  	_ =	shalt  }
0x7c: {  	_ =	shalt  }
0x7d: {  	_ =	shalt  }
0x7e: {  	_ =	shalt  }
0x7f: {  	_ =	shalt  }
0x80: {  	_ =	shalt  }
0x81: {  	_ =	shalt  }
0x82: {  	_ =	shalt  }
0x83: {  	_ =	shalt  }
0x84: {  	_ =	shalt  }
0x85: {  	_ =	shalt  }
0x86: {  	_ =	shalt  }
0x87: {  	_ =	shalt  }
.Lfunc_end0:
.L_simem_size_0:
called_computation_lowered:
.L_overlay_start_0:
0x88: {  	s2 =	sld [smem:$0x3FD9]  }
0x89: {  	s3 =	sld [smem:$0x3FFE];
	_ =	sdelay $0x1  }
0x8a: {  	s1 =	srdreg.scid  }
0x8b: {  	s0 =	sand.u32 $0x1, s1  }
0x8c: {  	s16 =	sshll.u32 s0, $0xA;
	s2 =	sadd.s32 s3, s2  }
0x8d: {  	s2 =	sadd.s32 s2, s16  }
0x8e: {  	[smem:$0x3FAE] =	sst s2  }
0x8f: {  	_ = 	snop  }
0x90: {  	(tm) =	ssettm $0x1  }
0x91: {  	s17 =	sld [smem:$0x3FFB];
	_ =	sdelay $0x3  }
0x92: {  	_ =	strace s17  }
0x93: {  	s2 =	sld [smem:$0x3FFC];
	_ =	sdelay $0x3  }
0x94: {  	_ =	strace s2  }
0x95: {  	s2 =	sld [smem:$0x3FFD];
	_ =	sdelay $0x3  }
0x96: {  	_ =	strace s2  }
0x97: {  	_ =	strace $0x8FFFFFFF  }
0x98: {  	s18 =	sld [smem:$0x3FDB];
	_ =	sdelay $0x1  }
0x99: {  	s19 =	simm.s32 $_scs_section_size  }
0x9a: {  	s4 =	simm.s32 $_size__tile_overlayer_lowered;
	s5 =	simm.s32 $_tile_overlayer_lowered  }
0x9b: {  	s22 =	simm.s32 $0x1BFF;
	s21 =	sshll.u32 s5, $0x1;
	s2 =	sadd.s32 s19, s18  }
0x9c: {  	s6 =	simm.s32 $0x0;
	s20 =	sshll.u32 s4, $0x1;
	s4 =	sadd.s32 s21, s2  }
0x9d: {  	[timem:s6], [sflag:s22] =	dma.local [hbm:s4], s20  }
0x9e: {  	_ =	swait.ge [sflag:s22], s20  }
0x9f: {  	s3 =	ssub.s32 $0x0, s20;
	[sflag:s22] =	ssyncset.done $0x0  }
0xa0: {  	[sflag:s22] =	ssyncadd.s32 s3;
	_ =	sdelay $0x1  }
0xa1: {  	s23 =	simm.s32 $0x1B8B  }
0xa2: {  	_ =	swait.ge [sflag:s23], $0x1  }
0xa3: {  	[sflag:s23] =	ssyncset.done $0x0  }
0xa4: {  	s25 =	simm.s32 $0x1B8E;
	s24 =	sld [smem:$0x3FFE];
	[sflag:s23] =	ssyncadd.s32 $0xFFFFFFFF  }
0xa5: {  	s26 =	simm.s32 $execute0_lowered;
	[smem:$0x3FD2] =	sst s25  }
0xa6: {  	s4 =	sshll.u32 s26, $0x1;
	_ =	strace $0x80000046;
	[dreg:$0x1] =	wrdreg $0xFFFFFFFF  }
0xa7: {  	s28 =	simm.s32 $_size_execute0_lowered;
	s2 =	sadd.s32 s2, s4;
	[dreg:$0x0] =	wrdreg $0x0  }
0xa8: {  	s4 =	sshll.u32 s28, $0x1;
	[dreg:$0x2] =	wrdreg s2  }
0xa9: {  	[dreg:$0x3] =	wrdreg s4  }
0xaa: {  	[dreg:$0x4] =	wrdreg $0xC0  }
0xab: {  	_ =	task [dreg:s6], $0x5FFFF  }
0xac: {  	[dreg:$0x1] =	wrdreg $0xFFFFFFFF  }
0xad: {  	[dreg:$0x0] =	wrdreg $0x60  }
0xae: {  	[dreg:$0x2] =	wrdreg s24  }
0xaf: {  	[dreg:$0x3] =	wrdreg $0x9  }
0xb0: {  	_ =	task.clear_ibuf [dreg:s6], $0x4FFFF;
	_ =	strace $0x90000046  }
0xb1: {  	s29 =	simm.s32 $0x9;
	_ =	strace $0x80000048  }
0xb2: {  	_ =	swait.ge [sflag:s29], $0x1  }
0xb3: {  	[sflag:s29] =	ssyncadd.s32 $0xFFFFFFFF  }
0xb4: {  	_ =	strace $0x90000048  }
0xb5: {  	_ =	sfence  }
0xb6: {  	s30 =	sld [smem:$0x0];
	_ =	sdelay $0x2  }
0xb7: {  	s31 =	sshll.u32 s1, $0xD;
	s1 =	sshrl.u32 s1, $0x2  }
0xb8: {  	s3 =	sand.u32 $0x4000, s31;
	s1 =	sadd.s32 s1, s30  }
0xb9: {  	s0 =	sor.u32 s3, s0;
	s1 =	sshll.u32 s1, $0x11  }
0xba: {  	s0 =	sor.u32 s1, s0  }
0xbb: {  	s0 =	sadd.s32 $0x8F2B, s0  }
0xbc: {  	[sflag:s0] =	ssyncadd.remote.s32 $0x1  }
0xbd: {  	_ =	sfence.sel $0xFFFF  }
0xbe: {  	[dreg:$0x0] =	wrdreg $0xFFFFFFFF;
	(pc) =	sbr.abs _section_cstart, $3  }
0xbf: {  	[dreg:$0x1] =	wrdreg $0xFFFFFFFF  }
0xc0: {  	_ =	task.clear_ibuf [dreg:s6], $0x2FFFF;
	_ =	strace $0x9FFFFFFF  }
0xc1: {  	(tm) =	ssettm $0x7FFFFFFF  }
tec
execute0_lowered:
.L_overlay_start_1:
0x0: {  	(tag) =	ssettag $0x1  }
0x1: {  	s1 =	srdreg.scid  }
0x2: {  	s0 =	stileid.u32;
	s5 =	sand.u32 $0x1, s1  }
0x3: {  	s7 =	rddreg [dreg:$0x0];
	s3 =	sshll.u32 s0, $0x8;
	s4 =	sshll.u32 s5, $0x7  }
0x4: {  	s2 =	simm.s32 $0x0;
	s1 =	rddreg [dreg:$0x1];
	s3 =	sor.u32 s4, s3  }
0x5: {  	[smem:$0x7FF] =	sst s2;
	s8 =	ssub.s32 $0x2, s5;
	s4 =	sshrl.u32 s3, $0x3  }
0x6: {  	_ =	strace $0x80000047;
	s9 =	sshrl.u32 s8, $0x1;
	s4 =	sadd.s32 s4, s7  }
0x7: {  	s6 =	sshll.u32 s3, $0x6;
	s3 =	sadd.s32 $0x12C00, s4;
	s4 =	simm.s32 $0x2  }
0x8: {  	[tilespmem:s2], [sflag:$0x2] =	stream.linear.gather [hbm4b:s3+s2], $0x80, $0x38;
	[tilespmem:$0x10080] =	vst v63  }
0x9: {  	s8 =	ssub.s32 s8, s9;
	s6 =	sand.u32 $0x1E000, s6;
	_ =	swait.ge [sflag:s4], $0x80  }
0xa: {  	s9 =	smax.u32 s8, $0x1;
	s6 =	sadd.s32 s6, s7;
	[sflag:s4] =	ssyncset.done $0x0  }
0xb: {  	s5 =	sadd.s32 $0x12E00, s6;
	s6 =	simm.s32 $0x80;
	[sflag:s4] =	ssyncadd.s32 $0xFFFFFF80  }
0xc: {  	[tilespmem:s6], [sflag:$0x2] =	stream.linear.gather [hbm4b:s5+s2], $0x10000, $0x38;
	[tilespmem:$0x10080] =	vst v63  }
0xd: {  	p0 =	sne.s32 s9, $0x1;
	_ =	swait.ge [sflag:s4], $0x10000  }
.Ltmp0:
0xe: {  	[sflag:s4] =	ssyncset.done $0x0;
	(pc) =	sbr.rel @!p0 .LBB2_2-.Ltmp0, $4  }
0xf: {  	s8 =	simm.s32 $0x1;
	s7 =	sadd.s32 $0x32E00, s7;
	[sflag:s4] =	ssyncadd.s32 $0xFFFF0000  }
0x10: {  	[hbm4b:s7+s6] =	stream.indirect.scatter [tilespmem:s6], [sflag:$0x1], $0x200, s2, s6, $0xb8;
	[tilespmem:$0x10080] =	vst v63  }
0x11: {  	_ =	swait.ge [sflag:s8], $0x10000  }
0x12: {  	s9 =	sadd.s32 $0xFFFFFFFF, s9;
	[sflag:s8] =	ssyncset.done $0x0  }
.LBB2_1:
0x13: {  	p0 =	sne.s32 s9, $0x1;
	s9 =	sadd.s32 $0xFFFFFFFF, s9;
	[sflag:s8] =	ssyncadd.s32 $0xFFFF0000  }
0x14: {  	[tilespmem:s2], [sflag:$0x2] =	stream.linear.gather [hbm4b:s3+s2], $0x80, $0x38;
	[tilespmem:$0x10080] =	vst v63  }
0x15: {  	_ =	swait.ge [sflag:s4], $0x80  }
0x16: {  	[sflag:s4] =	ssyncset.done $0x0  }
0x17: {  	[sflag:s4] =	ssyncadd.s32 $0xFFFFFF80  }
0x18: {  	[tilespmem:s6], [sflag:$0x2] =	stream.linear.gather [hbm4b:s5+s2], $0x10000, $0x38;
	[tilespmem:$0x10080] =	vst v63  }
0x19: {  	_ =	swait.ge [sflag:s4], $0x10000  }
.Ltmp1:
0x1a: {  	[sflag:s4] =	ssyncset.done $0x0;
	(pc) =	sbr.rel @p0 .LBB2_1-.Ltmp1, $4  }
0x1b: {  	[sflag:s4] =	ssyncadd.s32 $0xFFFF0000  }
0x1c: {  	[hbm4b:s7+s6] =	stream.indirect.scatter [tilespmem:s6], [sflag:$0x1], $0x200, s2, s6, $0xb8;
	[tilespmem:$0x10080] =	vst v63  }
0x1d: {  	_ =	swait.ge [sflag:s8], $0x10000  }
0x1e: {  	[sflag:s8] =	ssyncset.done $0x0  }
.LBB2_2:
0x1f: {  	[sflag:s8] =	ssyncadd.s32 $0xFFFF0000  }
0x20: {  	_ =	sfence.sel $0x180000  }
0x21: {  	[bflag:$0x0] =	sbarrier.arrive $0xFFFF  }
0x22: {  	p0 =	sne.s32 s0, $0x0;
	_ =	strace $0x90000047  }
0x23: {  	s0 =	sadd.s32 @!p0 $0x100000, s1;
	[bflag:$0x2] =	sbarrier.arrive $0xFFFF  }
0x24: {  	[sflag:s0] =	ssyncadd.tile.s32 @!p0 $0x1;
	_ =	shalt  }
.Lfunc_end2:
_tile_overlayer_lowered:
.L_overlay_start_2:
0x25: {  	(tag) =	ssettag $0x2  }
0x26: {  	s0 =	rddreg [dreg:$0x0];
	s2 =	stileid.u32  }
0x27: {  	s1 =	rddreg [dreg:$0x1];
	p0 =	sne.s32 s2, $0x0  }
0x28: {  	s3 =	rddreg [dreg:$0x2];
	[bflag:$0x3] =	sbarrier.arrive $0xFFFF;
	s2 =	simm.s32 @!p0 $0x1C02  }
0x29: {  	[timem:s3], [sflag:s2] =	dma.local @!p0 [hbm:s0], s1  }
0x2a: {  	s0 =	simm.s32 @!p0 $0x2  }
0x2b: {  	_ =	swait.ge @!p0 [sflag:s0], s1  }
0x2c: {  	s1 =	ssub.s32 @!p0 $0x0, s1;
	[sflag:s0] =	ssyncset.done @!p0 $0x0  }
0x2d: {  	[sflag:s0] =	ssyncadd.s32 @!p0 s1  }
0x2e: {  	[bflag:$0x3] =	sbarrier.arrive $0xFFFF  }
0x2f: {  	_ =	shalt  }

// kernel: kernel.18.cloned.1.call-start
scs
__scs_entry_jumppad:
0x0: {  	(pc) =	sbr.rel $0x88, $3  }
0x1: {  	(tag) =	ssettag $0x0;
	lr =	simm.s32 $0x1  }
0x2: {  	[smem:$0x3F87] =	sst lr;
	_ =	strace $0xD0000000  }
0x3: {  	_ = 	snop  }
0x4: {  	_ = 	snop  }
0x5: {  	_ = 	snop  }
0x6: {  	_ = 	snop  }
0x7: {  	_ = 	snop  }
__scs_overlays_trampoline_lowered:
0x8: {  	[smem:$0x3F96] =	sst s0  }
0x9: {  	[smem:$0x3F97] =	sst s1  }
0xa: {  	[smem:$0x3F98] =	sst s2  }
0xb: {  	[smem:$0x3F99] =	sst s3  }
0xc: {  	[smem:$0x3F9A] =	sst s4  }
0xd: {  	[smem:$0x3F9B] =	sst s5  }
0xe: {  	[smem:$0x3F9C] =	sst s6  }
0xf: {  	[smem:$0x3F9D] =	sst s7  }
0x10: {  	[smem:$0x3F9E] =	sst s8  }
0x11: {  	[smem:$0x3F9F] =	sst s9;
	s0 =	simm.s32 @!p0 $0x0  }
0x12: {  	s1 =	sld [smem:$0x3F85];
	s0 =	simm.s32 @p0 $0x1  }
0x13: {  	[smem:$0x3FA0] =	sst s0;
	s0 =	simm.s32 @!p1 $0x0  }
0x14: {  	s2 =	sld [smem:$0x3F84];
	s0 =	simm.s32 @p1 $0x1  }
0x15: {  	[smem:$0x3FA1] =	sst s0;
	s0 =	simm.s32 @!p2 $0x0  }
0x16: {  	s3 =	sld [smem:$0x3FDB];
	s0 =	simm.s32 @p2 $0x1  }
0x17: {  	s4 =	simm.s32 $0x1BF5;
	[smem:$0x3FA3] =	sst s0  }
0x18: {  	s0 =	sld [smem:$0x3F86];
	_ =	swait.ge [sflag:s4], $0x0  }
0x19: {  	s7 =	sld [smem:$0x3F87]  }
0x1a: {  	s8 =	sadd.s32 $0xFFFFE003, lr  }
0x1b: {  	s9 =	sadd.s32 $0xFFFFFEF7, lr;
	s5 =	simm.s32 $0xFFFFFFFF;
	p2 =	slt.u32 s8, $0xFFFFF086  }
0x1c: {  	p1 =	slt.u32 s9, $0xF7A;
	s5 =	simm.s32 @!p2 $0x0  }
0x1d: {  	s5 =	simm.s32 @p1 $0x1;
	p0 =	seq.s32 s7, s2  }
0x1e: {  	s7 =	smul.u32 @!p0 $0xF7A, s2;
	p2 =	seq.s32 @!p0 s5, $0x0  }
0x1f: {  	s9 =	smul.u32 $0xF7A, s1;
	s8 =	simm.s32 @!p0 $0x1BF5;
	p2 =	por !p2, p0  }
0x20: {  	[sflag:s8] =	ssyncset.s32 @!p0 $0xFFFFF086;
	s6 =	sadd.s32 @!p0 s3, s7;
	s7 =	simm.s32 @!p0 $0x108  }
0x21: {  	s3 =	sadd.s32 s3, s9;
	s6 =	sadd.s32 @!p0 $0x88, s6;
	s7 =	simm.s32 @p2 $0x1082  }
0x22: {  	[simem:s7], [sflag:s8] =	dma.local @!p0 [hbm:s6], $0xF7A  }
0x23: {  	s9 =	sor.u32 $0xD0000000, s2;
	s6 =	simm.s32 $0x108;
	_ =	swait.ge @!p0 [sflag:s8], $0x0  }
0x24: {  	s3 =	sadd.s32 $0x88, s3;
	s6 =	simm.s32 @!p1 $0x1082;
	[sflag:s4] =	ssyncset.s32 $0xFFFFF086  }
0x25: {  	[simem:s6], [sflag:s4] =	dma.local [hbm:s3], $0xF7A  }
0x26: {  	[smem:$0x3F87] =	sst s1;
	(tag) =	ssettag s2;
	_ =	strace s9  }
0x27: {  	s1 =	sld [smem:$0x3F97]  }
0x28: {  	s2 =	sld [smem:$0x3F98]  }
0x29: {  	s4 =	sld [smem:$0x3F9A]  }
0x2a: {  	p0 =	seq.s32 s5, $0x0;
	s5 =	sld [smem:$0x3F9B]  }
0x2b: {  	s6 =	sld [smem:$0x3F9C]  }
0x2c: {  	s7 =	sld [smem:$0x3F9D]  }
0x2d: {  	s3 =	simm.s32 $0x108;
	s8 =	sld [smem:$0x3F9E]  }
0x2e: {  	s3 =	simm.s32 @!p0 $0x1082;
	s9 =	sld [smem:$0x3F9F]  }
0x2f: {  	lr =	sadd.s32 s0, s3;
	s0 =	sld [smem:$0x3F96]  }
0x30: {  	s3 =	sld [smem:$0x3F99]  }
0x31: {  	[smem:$0x3FA2] =	sst s10  }
0x32: {  	s10 =	sld [smem:$0x3FA0];
	_ =	sdelay $0x3  }
0x33: {  	p0 =	seq.s32 s10, $0x1;
	s10 =	sld [smem:$0x3FA2];
	_ =	sdelay $0x3  }
0x34: {  	[smem:$0x3FA2] =	sst s10  }
0x35: {  	s10 =	sld [smem:$0x3FA1];
	_ =	sdelay $0x3  }
0x36: {  	p1 =	seq.s32 s10, $0x1;
	s10 =	sld [smem:$0x3FA2];
	_ =	sdelay $0x3  }
0x37: {  	[smem:$0x3FA2] =	sst s10  }
0x38: {  	s10 =	sld [smem:$0x3FA3]  }
0x39: {  	_ = 	snop;
	(pc) =	sbr.ind lr, $3  }
0x3a: {  	_ = 	snop  }
0x3b: {  	_ = 	snop  }
0x3c: {  	p2 =	seq.s32 s10, $0x1;
	s10 =	sld [smem:$0x3FA2]  }
0x3d: {  	_ =	shalt  }
0x3e: {  	_ =	shalt  }
0x3f: {  	_ =	shalt  }
0x40: {  	_ =	shalt  }
0x41: {  	_ =	shalt  }
0x42: {  	_ =	shalt  }
0x43: {  	_ =	shalt  }
0x44: {  	_ =	shalt  }
0x45: {  	_ =	shalt  }
0x46: {  	_ =	shalt  }
0x47: {  	_ =	shalt  }
0x48: {  	_ =	shalt  }
0x49: {  	_ =	shalt  }
0x4a: {  	_ =	shalt  }
0x4b: {  	_ =	shalt  }
0x4c: {  	_ =	shalt  }
0x4d: {  	_ =	shalt  }
0x4e: {  	_ =	shalt  }
0x4f: {  	_ =	shalt  }
0x50: {  	_ =	shalt  }
0x51: {  	_ =	shalt  }
0x52: {  	_ =	shalt  }
0x53: {  	_ =	shalt  }
0x54: {  	_ =	shalt  }
0x55: {  	_ =	shalt  }
0x56: {  	_ =	shalt  }
0x57: {  	_ =	shalt  }
0x58: {  	_ =	shalt  }
0x59: {  	_ =	shalt  }
0x5a: {  	_ =	shalt  }
0x5b: {  	_ =	shalt  }
0x5c: {  	_ =	shalt  }
0x5d: {  	_ =	shalt  }
0x5e: {  	_ =	shalt  }
0x5f: {  	_ =	shalt  }
0x60: {  	_ =	shalt  }
0x61: {  	_ =	shalt  }
0x62: {  	_ =	shalt  }
0x63: {  	_ =	shalt  }
0x64: {  	_ =	shalt  }
0x65: {  	_ =	shalt  }
0x66: {  	_ =	shalt  }
0x67: {  	_ =	shalt  }
0x68: {  	_ =	shalt  }
0x69: {  	_ =	shalt  }
0x6a: {  	_ =	shalt  }
0x6b: {  	_ =	shalt  }
0x6c: {  	_ =	shalt  }
0x6d: {  	_ =	shalt  }
0x6e: {  	_ =	shalt  }
0x6f: {  	_ =	shalt  }
0x70: {  	_ =	shalt  }
0x71: {  	_ =	shalt  }
0x72: {  	_ =	shalt  }
0x73: {  	_ =	shalt  }
0x74: {  	_ =	shalt  }
0x75: {  	_ =	shalt  }
0x76: {  	_ =	shalt  }
0x77: {  	_ =	shalt  }
0x78: {  	_ =	shalt  }
0x79: {  	_ =	shalt  }
0x7a: {  	_ =	shalt  }
0x7b: {  	_ =	shalt  }
0x7c: {  	_ =	shalt  }
0x7d: {  	_ =	shalt  }
0x7e: {  	_ =	shalt  }
0x7f: {  	_ =	shalt  }
0x80: {  	_ =	shalt  }
0x81: {  	_ =	shalt  }
0x82: {  	_ =	shalt  }
0x83: {  	_ =	shalt  }
0x84: {  	_ =	shalt  }
0x85: {  	_ =	shalt  }
0x86: {  	_ =	shalt  }
0x87: {  	_ =	shalt  }
.Lfunc_end0:
.L_simem_size_0:
called_computation.1_lowered:
.L_overlay_start_0:
0x88: {  	s2 =	sld [smem:$0x3FD9]  }
0x89: {  	s3 =	sld [smem:$0x3FFE];
	_ =	sdelay $0x1  }
0x8a: {  	s1 =	srdreg.scid  }
0x8b: {  	s0 =	sand.u32 $0x1, s1  }
0x8c: {  	s16 =	sshll.u32 s0, $0xA;
	s2 =	sadd.s32 s3, s2  }
0x8d: {  	s2 =	sadd.s32 s2, s16  }
0x8e: {  	[smem:$0x3FAE] =	sst s2  }
0x8f: {  	_ = 	snop  }
0x90: {  	(tm) =	ssettm $0x1  }
0x91: {  	s17 =	sld [smem:$0x3FFB];
	_ =	sdelay $0x3  }
0x92: {  	_ =	strace s17  }
0x93: {  	s2 =	sld [smem:$0x3FFC];
	_ =	sdelay $0x3  }
0x94: {  	_ =	strace s2  }
0x95: {  	s2 =	sld [smem:$0x3FFD];
	_ =	sdelay $0x3  }
0x96: {  	_ =	strace s2  }
0x97: {  	_ =	strace $0x8FFFFFFF  }
0x98: {  	s18 =	sld [smem:$0x3FDB];
	_ =	sdelay $0x1  }
0x99: {  	s19 =	simm.s32 $_scs_section_size  }
0x9a: {  	s4 =	simm.s32 $_size__tile_overlayer_lowered;
	s5 =	simm.s32 $_tile_overlayer_lowered  }
0x9b: {  	s22 =	simm.s32 $0x1BFF;
	s21 =	sshll.u32 s5, $0x1;
	s2 =	sadd.s32 s19, s18  }
0x9c: {  	s6 =	simm.s32 $0x0;
	s20 =	sshll.u32 s4, $0x1;
	s4 =	sadd.s32 s21, s2  }
0x9d: {  	[timem:s6], [sflag:s22] =	dma.local [hbm:s4], s20  }
0x9e: {  	_ =	swait.ge [sflag:s22], s20  }
0x9f: {  	s3 =	ssub.s32 $0x0, s20;
	[sflag:s22] =	ssyncset.done $0x0  }
0xa0: {  	[sflag:s22] =	ssyncadd.s32 s3;
	_ =	sdelay $0x1  }
0xa1: {  	s23 =	simm.s32 $0x1B8B  }
0xa2: {  	_ =	swait.ge [sflag:s23], $0x1  }
0xa3: {  	[sflag:s23] =	ssyncset.done $0x0  }
0xa4: {  	s25 =	simm.s32 $0x1B8E;
	s24 =	sld [smem:$0x3FFE];
	[sflag:s23] =	ssyncadd.s32 $0xFFFFFFFF  }
0xa5: {  	s26 =	simm.s32 $execute0_lowered;
	[smem:$0x3FD2] =	sst s25  }
0xa6: {  	s4 =	sshll.u32 s26, $0x1;
	_ =	strace $0x80000049;
	[dreg:$0x1] =	wrdreg $0xFFFFFFFF  }
0xa7: {  	s28 =	simm.s32 $_size_execute0_lowered;
	s2 =	sadd.s32 s2, s4;
	[dreg:$0x0] =	wrdreg $0x0  }
0xa8: {  	s4 =	sshll.u32 s28, $0x1;
	[dreg:$0x2] =	wrdreg s2  }
0xa9: {  	[dreg:$0x3] =	wrdreg s4  }
0xaa: {  	[dreg:$0x4] =	wrdreg $0xC0  }
0xab: {  	_ =	task [dreg:s6], $0x5FFFF  }
0xac: {  	[dreg:$0x1] =	wrdreg $0xFFFFFFFF  }
0xad: {  	[dreg:$0x0] =	wrdreg $0x60  }
0xae: {  	[dreg:$0x2] =	wrdreg s24  }
0xaf: {  	[dreg:$0x3] =	wrdreg $0x9  }
0xb0: {  	_ =	task.clear_ibuf [dreg:s6], $0x4FFFF;
	_ =	strace $0x90000049  }
0xb1: {  	s29 =	simm.s32 $0x9;
	_ =	strace $0x8000004B  }
0xb2: {  	_ =	swait.ge [sflag:s29], $0x1  }
0xb3: {  	[sflag:s29] =	ssyncadd.s32 $0xFFFFFFFF  }
0xb4: {  	_ =	strace $0x9000004B  }
0xb5: {  	_ =	sfence  }
0xb6: {  	s30 =	sld [smem:$0x0];
	_ =	sdelay $0x2  }
0xb7: {  	s31 =	sshll.u32 s1, $0xD;
	s1 =	sshrl.u32 s1, $0x2  }
0xb8: {  	s3 =	sand.u32 $0x4000, s31;
	s1 =	sadd.s32 s1, s30  }
0xb9: {  	s0 =	sor.u32 s3, s0;
	s1 =	sshll.u32 s1, $0x11  }
0xba: {  	s0 =	sor.u32 s1, s0  }
0xbb: {  	s0 =	sadd.s32 $0x8F2B, s0  }
0xbc: {  	[sflag:s0] =	ssyncadd.remote.s32 $0x1  }
0xbd: {  	_ =	sfence.sel $0xFFFF  }
0xbe: {  	[dreg:$0x0] =	wrdreg $0xFFFFFFFF;
	(pc) =	sbr.abs _section_cstart, $3  }
0xbf: {  	[dreg:$0x1] =	wrdreg $0xFFFFFFFF  }
0xc0: {  	_ =	task.clear_ibuf [dreg:s6], $0x2FFFF;
	_ =	strace $0x9FFFFFFF  }
0xc1: {  	(tm) =	ssettm $0x7FFFFFFF  }
tec
execute0_lowered:
.L_overlay_start_1:
0x0: {  	(tag) =	ssettag $0x1  }
0x1: {  	s1 =	srdreg.scid  }
0x2: {  	s0 =	stileid.u32;
	s6 =	sand.u32 $0x1, s1  }
0x3: {  	s8 =	rddreg [dreg:$0x0];
	s30 =	sshll.u32 s0, $0x8;
	s2 =	sshll.u32 s6, $0x7  }
0x4: {  	s7 =	simm.s32 $0x1;
	s1 =	rddreg [dreg:$0x1];
	s9 =	sor.u32 s2, s30  }
0x5: {  	s5 =	sadd.s32 $0x12E00, s8;
	s2 =	simm.s32 $0x0;
	s3 =	sshrl.u32 s9, $0x3  }
0x6: {  	s10 =	ssub.s32 $0x2, s6;
	[smem:$0x7FF] =	sst s2;
	s3 =	sadd.s32 s3, s8  }
0x7: {  	_ =	strace $0x8000004A;
	s4 =	sadd.s32 $0x12C00, s3;
	s3 =	simm.s32 $0x2  }
0x8: {  	[tilespmem:s2], [sflag:$0x2] =	stream.linear.gather [hbm4b:s4+s2], $0x80, $0x38;
	[tilespmem:$0x10080] =	vst v63  }
0x9: {  	s6 =	simm.s32 $0x80;
	s11 =	sshrl.u32 s10, $0x1;
	_ =	swait.ge [sflag:s3], $0x80  }
0xa: {  	s9 =	sshll.u32 s9, $0x6;
	s31 =	ssub.s32 s10, s11;
	[sflag:s3] =	ssyncset.done $0x0  }
0xb: {  	s8 =	sadd.s32 s9, s8;
	s9 =	smax.u32 s31, $0x1;
	[sflag:s3] =	ssyncadd.s32 $0xFFFFFF80  }
0xc: {  	[tilespmem:s6], [sflag:$0x1] =	stream.indirect.gather [hbm4b:s5+s6], $0x200, s2, s6, $0xb8;
	[tilespmem:$0x10080] =	vst v63  }
0xd: {  	p0 =	sne.s32 s9, $0x1;
	_ =	swait.ge [sflag:s7], $0x10000  }
.Ltmp0:
0xe: {  	[sflag:s7] =	ssyncset.done $0x0;
	(pc) =	sbr.rel @!p0 .LBB2_2-.Ltmp0, $4  }
0xf: {  	s8 =	sadd.s32 $0x72E00, s8;
	[sflag:s7] =	ssyncadd.s32 $0xFFFF0000  }
0x10: {  	[hbm4b:s8+s2] =	stream.linear.scatter [tilespmem:s6], [sflag:$0x2], $0x10000, $0x38;
	[tilespmem:$0x10080] =	vst v63  }
0x11: {  	_ =	swait.ge [sflag:s3], $0x10000  }
0x12: {  	s9 =	sadd.s32 $0xFFFFFFFF, s9;
	[sflag:s3] =	ssyncset.done $0x0  }
.LBB2_1:
0x13: {  	p0 =	sne.s32 s9, $0x1;
	s9 =	sadd.s32 $0xFFFFFFFF, s9;
	[sflag:s3] =	ssyncadd.s32 $0xFFFF0000  }
0x14: {  	[tilespmem:s2], [sflag:$0x2] =	stream.linear.gather [hbm4b:s4+s2], $0x80, $0x38;
	[tilespmem:$0x10080] =	vst v63  }
0x15: {  	_ =	swait.ge [sflag:s3], $0x80  }
0x16: {  	[sflag:s3] =	ssyncset.done $0x0  }
0x17: {  	[sflag:s3] =	ssyncadd.s32 $0xFFFFFF80  }
0x18: {  	[tilespmem:s6], [sflag:$0x1] =	stream.indirect.gather [hbm4b:s5+s6], $0x200, s2, s6, $0xb8;
	[tilespmem:$0x10080] =	vst v63  }
0x19: {  	_ =	swait.ge [sflag:s7], $0x10000  }
.Ltmp1:
0x1a: {  	[sflag:s7] =	ssyncset.done $0x0;
	(pc) =	sbr.rel @p0 .LBB2_1-.Ltmp1, $4  }
0x1b: {  	[sflag:s7] =	ssyncadd.s32 $0xFFFF0000  }
0x1c: {  	[hbm4b:s8+s2] =	stream.linear.scatter [tilespmem:s6], [sflag:$0x2], $0x10000, $0x38;
	[tilespmem:$0x10080] =	vst v63  }
0x1d: {  	_ =	swait.ge [sflag:s3], $0x10000  }
0x1e: {  	[sflag:s3] =	ssyncset.done $0x0  }
.LBB2_2:
0x1f: {  	[sflag:s3] =	ssyncadd.s32 $0xFFFF0000  }
0x20: {  	_ =	sfence.sel $0x180000  }
0x21: {  	[bflag:$0x0] =	sbarrier.arrive $0xFFFF  }
0x22: {  	p0 =	sne.s32 s0, $0x0;
	_ =	strace $0x9000004A  }
0x23: {  	s0 =	sadd.s32 @!p0 $0x100000, s1;
	[bflag:$0x2] =	sbarrier.arrive $0xFFFF  }
0x24: {  	[sflag:s0] =	ssyncadd.tile.s32 @!p0 $0x1;
	_ =	shalt  }
.Lfunc_end2:
_tile_overlayer_lowered:
.L_overlay_start_2:
0x25: {  	(tag) =	ssettag $0x2  }
0x26: {  	s0 =	rddreg [dreg:$0x0];
	s2 =	stileid.u32  }
0x27: {  	s1 =	rddreg [dreg:$0x1];
	p0 =	sne.s32 s2, $0x0  }
0x28: {  	s3 =	rddreg [dreg:$0x2];
	[bflag:$0x3] =	sbarrier.arrive $0xFFFF;
	s2 =	simm.s32 @!p0 $0x1C02  }
0x29: {  	[timem:s3], [sflag:s2] =	dma.local @!p0 [hbm:s0], s1  }
0x2a: {  	s0 =	simm.s32 @!p0 $0x2  }
0x2b: {  	_ =	swait.ge @!p0 [sflag:s0], s1  }
0x2c: {  	s1 =	ssub.s32 @!p0 $0x0, s1;
	[sflag:s0] =	ssyncset.done @!p0 $0x0  }
0x2d: {  	[sflag:s0] =	ssyncadd.s32 @!p0 s1  }
0x2e: {  	[bflag:$0x3] =	sbarrier.arrive $0xFFFF  }
0x2f: {  	_ =	shalt  }

// kernel: kernel.21.cloned.1.call-start
scs
__scs_entry_jumppad:
0x0: {  	(pc) =	sbr.rel $0x88, $3  }
0x1: {  	(tag) =	ssettag $0x0;
	lr =	simm.s32 $0x1  }
0x2: {  	[smem:$0x3F87] =	sst lr;
	_ =	strace $0xD0000000  }
0x3: {  	_ = 	snop  }
0x4: {  	_ = 	snop  }
0x5: {  	_ = 	snop  }
0x6: {  	_ = 	snop  }
0x7: {  	_ = 	snop  }
__scs_overlays_trampoline_lowered:
0x8: {  	[smem:$0x3F96] =	sst s0  }
0x9: {  	[smem:$0x3F97] =	sst s1  }
0xa: {  	[smem:$0x3F98] =	sst s2  }
0xb: {  	[smem:$0x3F99] =	sst s3  }
0xc: {  	[smem:$0x3F9A] =	sst s4  }
0xd: {  	[smem:$0x3F9B] =	sst s5  }
0xe: {  	[smem:$0x3F9C] =	sst s6  }
0xf: {  	[smem:$0x3F9D] =	sst s7  }
0x10: {  	[smem:$0x3F9E] =	sst s8  }
0x11: {  	[smem:$0x3F9F] =	sst s9;
	s0 =	simm.s32 @!p0 $0x0  }
0x12: {  	s1 =	sld [smem:$0x3F85];
	s0 =	simm.s32 @p0 $0x1  }
0x13: {  	[smem:$0x3FA0] =	sst s0;
	s0 =	simm.s32 @!p1 $0x0  }
0x14: {  	s2 =	sld [smem:$0x3F84];
	s0 =	simm.s32 @p1 $0x1  }
0x15: {  	[smem:$0x3FA1] =	sst s0;
	s0 =	simm.s32 @!p2 $0x0  }
0x16: {  	s3 =	sld [smem:$0x3FDB];
	s0 =	simm.s32 @p2 $0x1  }
0x17: {  	s4 =	simm.s32 $0x1BF5;
	[smem:$0x3FA3] =	sst s0  }
0x18: {  	s0 =	sld [smem:$0x3F86];
	_ =	swait.ge [sflag:s4], $0x0  }
0x19: {  	s7 =	sld [smem:$0x3F87]  }
0x1a: {  	s8 =	sadd.s32 $0xFFFFE003, lr  }
0x1b: {  	s9 =	sadd.s32 $0xFFFFFEF7, lr;
	s5 =	simm.s32 $0xFFFFFFFF;
	p2 =	slt.u32 s8, $0xFFFFF086  }
0x1c: {  	p1 =	slt.u32 s9, $0xF7A;
	s5 =	simm.s32 @!p2 $0x0  }
0x1d: {  	s5 =	simm.s32 @p1 $0x1;
	p0 =	seq.s32 s7, s2  }
0x1e: {  	s7 =	smul.u32 @!p0 $0xF7A, s2;
	p2 =	seq.s32 @!p0 s5, $0x0  }
0x1f: {  	s9 =	smul.u32 $0xF7A, s1;
	s8 =	simm.s32 @!p0 $0x1BF5;
	p2 =	por !p2, p0  }
0x20: {  	[sflag:s8] =	ssyncset.s32 @!p0 $0xFFFFF086;
	s6 =	sadd.s32 @!p0 s3, s7;
	s7 =	simm.s32 @!p0 $0x108  }
0x21: {  	s3 =	sadd.s32 s3, s9;
	s6 =	sadd.s32 @!p0 $0x88, s6;
	s7 =	simm.s32 @p2 $0x1082  }
0x22: {  	[simem:s7], [sflag:s8] =	dma.local @!p0 [hbm:s6], $0xF7A  }
0x23: {  	s9 =	sor.u32 $0xD0000000, s2;
	s6 =	simm.s32 $0x108;
	_ =	swait.ge @!p0 [sflag:s8], $0x0  }
0x24: {  	s3 =	sadd.s32 $0x88, s3;
	s6 =	simm.s32 @!p1 $0x1082;
	[sflag:s4] =	ssyncset.s32 $0xFFFFF086  }
0x25: {  	[simem:s6], [sflag:s4] =	dma.local [hbm:s3], $0xF7A  }
0x26: {  	[smem:$0x3F87] =	sst s1;
	(tag) =	ssettag s2;
	_ =	strace s9  }
0x27: {  	s1 =	sld [smem:$0x3F97]  }
0x28: {  	s2 =	sld [smem:$0x3F98]  }
0x29: {  	s4 =	sld [smem:$0x3F9A]  }
0x2a: {  	p0 =	seq.s32 s5, $0x0;
	s5 =	sld [smem:$0x3F9B]  }
0x2b: {  	s6 =	sld [smem:$0x3F9C]  }
0x2c: {  	s7 =	sld [smem:$0x3F9D]  }
0x2d: {  	s3 =	simm.s32 $0x108;
	s8 =	sld [smem:$0x3F9E]  }
0x2e: {  	s3 =	simm.s32 @!p0 $0x1082;
	s9 =	sld [smem:$0x3F9F]  }
0x2f: {  	lr =	sadd.s32 s0, s3;
	s0 =	sld [smem:$0x3F96]  }
0x30: {  	s3 =	sld [smem:$0x3F99]  }
0x31: {  	[smem:$0x3FA2] =	sst s10  }
0x32: {  	s10 =	sld [smem:$0x3FA0];
	_ =	sdelay $0x3  }
0x33: {  	p0 =	seq.s32 s10, $0x1;
	s10 =	sld [smem:$0x3FA2];
	_ =	sdelay $0x3  }
0x34: {  	[smem:$0x3FA2] =	sst s10  }
0x35: {  	s10 =	sld [smem:$0x3FA1];
	_ =	sdelay $0x3  }
0x36: {  	p1 =	seq.s32 s10, $0x1;
	s10 =	sld [smem:$0x3FA2];
	_ =	sdelay $0x3  }
0x37: {  	[smem:$0x3FA2] =	sst s10  }
0x38: {  	s10 =	sld [smem:$0x3FA3]  }
0x39: {  	_ = 	snop;
	(pc) =	sbr.ind lr, $3  }
0x3a: {  	_ = 	snop  }
0x3b: {  	_ = 	snop  }
0x3c: {  	p2 =	seq.s32 s10, $0x1;
	s10 =	sld [smem:$0x3FA2]  }
0x3d: {  	_ =	shalt  }
0x3e: {  	_ =	shalt  }
0x3f: {  	_ =	shalt  }
0x40: {  	_ =	shalt  }
0x41: {  	_ =	shalt  }
0x42: {  	_ =	shalt  }
0x43: {  	_ =	shalt  }
0x44: {  	_ =	shalt  }
0x45: {  	_ =	shalt  }
0x46: {  	_ =	shalt  }
0x47: {  	_ =	shalt  }
0x48: {  	_ =	shalt  }
0x49: {  	_ =	shalt  }
0x4a: {  	_ =	shalt  }
0x4b: {  	_ =	shalt  }
0x4c: {  	_ =	shalt  }
0x4d: {  	_ =	shalt  }
0x4e: {  	_ =	shalt  }
0x4f: {  	_ =	shalt  }
0x50: {  	_ =	shalt  }
0x51: {  	_ =	shalt  }
0x52: {  	_ =	shalt  }
0x53: {  	_ =	shalt  }
0x54: {  	_ =	shalt  }
0x55: {  	_ =	shalt  }
0x56: {  	_ =	shalt  }
0x57: {  	_ =	shalt  }
0x58: {  	_ =	shalt  }
0x59: {  	_ =	shalt  }
0x5a: {  	_ =	shalt  }
0x5b: {  	_ =	shalt  }
0x5c: {  	_ =	shalt  }
0x5d: {  	_ =	shalt  }
0x5e: {  	_ =	shalt  }
0x5f: {  	_ =	shalt  }
0x60: {  	_ =	shalt  }
0x61: {  	_ =	shalt  }
0x62: {  	_ =	shalt  }
0x63: {  	_ =	shalt  }
0x64: {  	_ =	shalt  }
0x65: {  	_ =	shalt  }
0x66: {  	_ =	shalt  }
0x67: {  	_ =	shalt  }
0x68: {  	_ =	shalt  }
0x69: {  	_ =	shalt  }
0x6a: {  	_ =	shalt  }
0x6b: {  	_ =	shalt  }
0x6c: {  	_ =	shalt  }
0x6d: {  	_ =	shalt  }
0x6e: {  	_ =	shalt  }
0x6f: {  	_ =	shalt  }
0x70: {  	_ =	shalt  }
0x71: {  	_ =	shalt  }
0x72: {  	_ =	shalt  }
0x73: {  	_ =	shalt  }
0x74: {  	_ =	shalt  }
0x75: {  	_ =	shalt  }
0x76: {  	_ =	shalt  }
0x77: {  	_ =	shalt  }
0x78: {  	_ =	shalt  }
0x79: {  	_ =	shalt  }
0x7a: {  	_ =	shalt  }
0x7b: {  	_ =	shalt  }
0x7c: {  	_ =	shalt  }
0x7d: {  	_ =	shalt  }
0x7e: {  	_ =	shalt  }
0x7f: {  	_ =	shalt  }
0x80: {  	_ =	shalt  }
0x81: {  	_ =	shalt  }
0x82: {  	_ =	shalt  }
0x83: {  	_ =	shalt  }
0x84: {  	_ =	shalt  }
0x85: {  	_ =	shalt  }
0x86: {  	_ =	shalt  }
0x87: {  	_ =	shalt  }
.Lfunc_end0:
.L_simem_size_0:
called_computation.2_lowered:
.L_overlay_start_0:
0x88: {  	s2 =	sld [smem:$0x3FD9]  }
0x89: {  	s3 =	sld [smem:$0x3FFE];
	_ =	sdelay $0x1  }
0x8a: {  	s1 =	srdreg.scid  }
0x8b: {  	s0 =	sand.u32 $0x1, s1  }
0x8c: {  	s16 =	sshll.u32 s0, $0xA;
	s2 =	sadd.s32 s3, s2  }
0x8d: {  	s2 =	sadd.s32 s2, s16  }
0x8e: {  	[smem:$0x3FAE] =	sst s2  }
0x8f: {  	_ = 	snop  }
0x90: {  	(tm) =	ssettm $0x1  }
0x91: {  	s17 =	sld [smem:$0x3FFB];
	_ =	sdelay $0x3  }
0x92: {  	_ =	strace s17  }
0x93: {  	s2 =	sld [smem:$0x3FFC];
	_ =	sdelay $0x3  }
0x94: {  	_ =	strace s2  }
0x95: {  	s2 =	sld [smem:$0x3FFD];
	_ =	sdelay $0x3  }
0x96: {  	_ =	strace s2  }
0x97: {  	_ =	strace $0x8FFFFFFF  }
0x98: {  	s18 =	sld [smem:$0x3FDB];
	_ =	sdelay $0x1  }
0x99: {  	s19 =	simm.s32 $_scs_section_size  }
0x9a: {  	s4 =	simm.s32 $_size__tile_overlayer_lowered;
	s5 =	simm.s32 $_tile_overlayer_lowered  }
0x9b: {  	s22 =	simm.s32 $0x1BFF;
	s21 =	sshll.u32 s5, $0x1;
	s2 =	sadd.s32 s19, s18  }
0x9c: {  	s6 =	simm.s32 $0x0;
	s20 =	sshll.u32 s4, $0x1;
	s4 =	sadd.s32 s21, s2  }
0x9d: {  	[timem:s6], [sflag:s22] =	dma.local [hbm:s4], s20  }
0x9e: {  	_ =	swait.ge [sflag:s22], s20  }
0x9f: {  	s3 =	ssub.s32 $0x0, s20;
	[sflag:s22] =	ssyncset.done $0x0  }
0xa0: {  	[sflag:s22] =	ssyncadd.s32 s3;
	_ =	sdelay $0x1  }
0xa1: {  	s23 =	simm.s32 $0x1B8B  }
0xa2: {  	_ =	swait.ge [sflag:s23], $0x1  }
0xa3: {  	[sflag:s23] =	ssyncset.done $0x0  }
0xa4: {  	s25 =	simm.s32 $0x1B8E;
	s24 =	sld [smem:$0x3FFE];
	[sflag:s23] =	ssyncadd.s32 $0xFFFFFFFF  }
0xa5: {  	s26 =	simm.s32 $execute0_lowered;
	[smem:$0x3FD2] =	sst s25  }
0xa6: {  	s4 =	sshll.u32 s26, $0x1;
	_ =	strace $0x8000004C;
	[dreg:$0x1] =	wrdreg $0xFFFFFFFF  }
0xa7: {  	s28 =	simm.s32 $_size_execute0_lowered;
	s2 =	sadd.s32 s2, s4;
	[dreg:$0x0] =	wrdreg $0x0  }
0xa8: {  	s4 =	sshll.u32 s28, $0x1;
	[dreg:$0x2] =	wrdreg s2  }
0xa9: {  	[dreg:$0x3] =	wrdreg s4  }
0xaa: {  	[dreg:$0x4] =	wrdreg $0xC0  }
0xab: {  	_ =	task [dreg:s6], $0x5FFFF  }
0xac: {  	[dreg:$0x1] =	wrdreg $0xFFFFFFFF  }
0xad: {  	[dreg:$0x0] =	wrdreg $0x60  }
0xae: {  	[dreg:$0x2] =	wrdreg s24  }
0xaf: {  	[dreg:$0x3] =	wrdreg $0x9  }
0xb0: {  	_ =	task.clear_ibuf [dreg:s6], $0x4FFFF;
	_ =	strace $0x9000004C  }
0xb1: {  	s29 =	simm.s32 $0x9;
	_ =	strace $0x8000004E  }
0xb2: {  	_ =	swait.ge [sflag:s29], $0x1  }
0xb3: {  	[sflag:s29] =	ssyncadd.s32 $0xFFFFFFFF  }
0xb4: {  	_ =	strace $0x9000004E  }
0xb5: {  	_ =	sfence  }
0xb6: {  	s30 =	sld [smem:$0x0];
	_ =	sdelay $0x2  }
0xb7: {  	s31 =	sshll.u32 s1, $0xD;
	s1 =	sshrl.u32 s1, $0x2  }
0xb8: {  	s3 =	sand.u32 $0x4000, s31;
	s1 =	sadd.s32 s1, s30  }
0xb9: {  	s0 =	sor.u32 s3, s0;
	s1 =	sshll.u32 s1, $0x11  }
0xba: {  	s0 =	sor.u32 s1, s0  }
0xbb: {  	s0 =	sadd.s32 $0x8F2B, s0  }
0xbc: {  	[sflag:s0] =	ssyncadd.remote.s32 $0x1  }
0xbd: {  	_ =	sfence.sel $0xFFFF  }
0xbe: {  	[dreg:$0x0] =	wrdreg $0xFFFFFFFF;
	(pc) =	sbr.abs _section_cstart, $3  }
0xbf: {  	[dreg:$0x1] =	wrdreg $0xFFFFFFFF  }
0xc0: {  	_ =	task.clear_ibuf [dreg:s6], $0x2FFFF;
	_ =	strace $0x9FFFFFFF  }
0xc1: {  	(tm) =	ssettm $0x7FFFFFFF  }
tec
execute0_lowered:
.L_overlay_start_1:
0x0: {  	(tag) =	ssettag $0x1  }
0x1: {  	s1 =	srdreg.scid  }
0x2: {  	s0 =	stileid.u32;
	s5 =	sand.u32 $0x1, s1  }
0x3: {  	s7 =	rddreg [dreg:$0x0];
	s3 =	sshll.u32 s0, $0x8;
	s4 =	sshll.u32 s5, $0x7  }
0x4: {  	s2 =	simm.s32 $0x0;
	s1 =	rddreg [dreg:$0x1];
	s3 =	sor.u32 s4, s3  }
0x5: {  	[smem:$0x7FF] =	sst s2;
	s8 =	ssub.s32 $0x2, s5;
	s4 =	sshrl.u32 s3, $0x3  }
0x6: {  	_ =	strace $0x8000004D;
	s9 =	sshrl.u32 s8, $0x1;
	s4 =	sadd.s32 s4, s7  }
0x7: {  	s6 =	sshll.u32 s3, $0x6;
	s3 =	sadd.s32 $0x12C00, s4;
	s4 =	simm.s32 $0x2  }
0x8: {  	[tilespmem:s2], [sflag:$0x2] =	stream.linear.gather [hbm4b:s3+s2], $0x80, $0x38;
	[tilespmem:$0x10080] =	vst v63  }
0x9: {  	s8 =	ssub.s32 s8, s9;
	s6 =	sand.u32 $0x1E000, s6;
	_ =	swait.ge [sflag:s4], $0x80  }
0xa: {  	s9 =	smax.u32 s8, $0x1;
	s6 =	sadd.s32 s6, s7;
	[sflag:s4] =	ssyncset.done $0x0  }
0xb: {  	s5 =	sadd.s32 $0x12E00, s6;
	s6 =	simm.s32 $0x80;
	[sflag:s4] =	ssyncadd.s32 $0xFFFFFF80  }
0xc: {  	[tilespmem:s6], [sflag:$0x2] =	stream.linear.gather [hbm4b:s5+s2], $0x10000, $0x38;
	[tilespmem:$0x10080] =	vst v63  }
0xd: {  	p0 =	sne.s32 s9, $0x1;
	_ =	swait.ge [sflag:s4], $0x10000  }
.Ltmp0:
0xe: {  	[sflag:s4] =	ssyncset.done $0x0;
	(pc) =	sbr.rel @!p0 .LBB2_2-.Ltmp0, $4  }
0xf: {  	s8 =	simm.s32 $0x1;
	s7 =	sadd.s32 $0x32E00, s7;
	[sflag:s4] =	ssyncadd.s32 $0xFFFF0000  }
0x10: {  	[hbm4b:s7+s6] =	stream.indirect.scatter [tilespmem:s6], [sflag:$0x1], $0x200, s2, s6, $0xb8;
	[tilespmem:$0x10080] =	vst v63  }
0x11: {  	_ =	swait.ge [sflag:s8], $0x10000  }
0x12: {  	s9 =	sadd.s32 $0xFFFFFFFF, s9;
	[sflag:s8] =	ssyncset.done $0x0  }
.LBB2_1:
0x13: {  	p0 =	sne.s32 s9, $0x1;
	s9 =	sadd.s32 $0xFFFFFFFF, s9;
	[sflag:s8] =	ssyncadd.s32 $0xFFFF0000  }
0x14: {  	[tilespmem:s2], [sflag:$0x2] =	stream.linear.gather [hbm4b:s3+s2], $0x80, $0x38;
	[tilespmem:$0x10080] =	vst v63  }
0x15: {  	_ =	swait.ge [sflag:s4], $0x80  }
0x16: {  	[sflag:s4] =	ssyncset.done $0x0  }
0x17: {  	[sflag:s4] =	ssyncadd.s32 $0xFFFFFF80  }
0x18: {  	[tilespmem:s6], [sflag:$0x2] =	stream.linear.gather [hbm4b:s5+s2], $0x10000, $0x38;
	[tilespmem:$0x10080] =	vst v63  }
0x19: {  	_ =	swait.ge [sflag:s4], $0x10000  }
.Ltmp1:
0x1a: {  	[sflag:s4] =	ssyncset.done $0x0;
	(pc) =	sbr.rel @p0 .LBB2_1-.Ltmp1, $4  }
0x1b: {  	[sflag:s4] =	ssyncadd.s32 $0xFFFF0000  }
0x1c: {  	[hbm4b:s7+s6] =	stream.indirect.scatter [tilespmem:s6], [sflag:$0x1], $0x200, s2, s6, $0xb8;
	[tilespmem:$0x10080] =	vst v63  }
0x1d: {  	_ =	swait.ge [sflag:s8], $0x10000  }
0x1e: {  	[sflag:s8] =	ssyncset.done $0x0  }
.LBB2_2:
0x1f: {  	[sflag:s8] =	ssyncadd.s32 $0xFFFF0000  }
0x20: {  	_ =	sfence.sel $0x180000  }
0x21: {  	[bflag:$0x0] =	sbarrier.arrive $0xFFFF  }
0x22: {  	p0 =	sne.s32 s0, $0x0;
	_ =	strace $0x9000004D  }
0x23: {  	s0 =	sadd.s32 @!p0 $0x100000, s1;
	[bflag:$0x2] =	sbarrier.arrive $0xFFFF  }
0x24: {  	[sflag:s0] =	ssyncadd.tile.s32 @!p0 $0x1;
	_ =	shalt  }
.Lfunc_end2:
_tile_overlayer_lowered:
.L_overlay_start_2:
0x25: {  	(tag) =	ssettag $0x2  }
0x26: {  	s0 =	rddreg [dreg:$0x0];
	s2 =	stileid.u32  }
0x27: {  	s1 =	rddreg [dreg:$0x1];
	p0 =	sne.s32 s2, $0x0  }
0x28: {  	s3 =	rddreg [dreg:$0x2];
	[bflag:$0x3] =	sbarrier.arrive $0xFFFF;
	s2 =	simm.s32 @!p0 $0x1C02  }
0x29: {  	[timem:s3], [sflag:s2] =	dma.local @!p0 [hbm:s0], s1  }
0x2a: {  	s0 =	simm.s32 @!p0 $0x2  }
0x2b: {  	_ =	swait.ge @!p0 [sflag:s0], s1  }
0x2c: {  	s1 =	ssub.s32 @!p0 $0x0, s1;
	[sflag:s0] =	ssyncset.done @!p0 $0x0  }
0x2d: {  	[sflag:s0] =	ssyncadd.s32 @!p0 s1  }
0x2e: {  	[bflag:$0x3] =	sbarrier.arrive $0xFFFF  }
0x2f: {  	_ =	shalt  }

// kernel: kernel.24.cloned.1.call-start
scs
__scs_entry_jumppad:
0x0: {  	(pc) =	sbr.rel $0x88, $3  }
0x1: {  	(tag) =	ssettag $0x0;
	lr =	simm.s32 $0x1  }
0x2: {  	[smem:$0x3F87] =	sst lr;
	_ =	strace $0xD0000000  }
0x3: {  	_ = 	snop  }
0x4: {  	_ = 	snop  }
0x5: {  	_ = 	snop  }
0x6: {  	_ = 	snop  }
0x7: {  	_ = 	snop  }
__scs_overlays_trampoline_lowered:
0x8: {  	[smem:$0x3F96] =	sst s0  }
0x9: {  	[smem:$0x3F97] =	sst s1  }
0xa: {  	[smem:$0x3F98] =	sst s2  }
0xb: {  	[smem:$0x3F99] =	sst s3  }
0xc: {  	[smem:$0x3F9A] =	sst s4  }
0xd: {  	[smem:$0x3F9B] =	sst s5  }
0xe: {  	[smem:$0x3F9C] =	sst s6  }
0xf: {  	[smem:$0x3F9D] =	sst s7  }
0x10: {  	[smem:$0x3F9E] =	sst s8  }
0x11: {  	[smem:$0x3F9F] =	sst s9;
	s0 =	simm.s32 @!p0 $0x0  }
0x12: {  	s1 =	sld [smem:$0x3F85];
	s0 =	simm.s32 @p0 $0x1  }
0x13: {  	[smem:$0x3FA0] =	sst s0;
	s0 =	simm.s32 @!p1 $0x0  }
0x14: {  	s2 =	sld [smem:$0x3F84];
	s0 =	simm.s32 @p1 $0x1  }
0x15: {  	[smem:$0x3FA1] =	sst s0;
	s0 =	simm.s32 @!p2 $0x0  }
0x16: {  	s3 =	sld [smem:$0x3FDB];
	s0 =	simm.s32 @p2 $0x1  }
0x17: {  	s4 =	simm.s32 $0x1BF5;
	[smem:$0x3FA3] =	sst s0  }
0x18: {  	s0 =	sld [smem:$0x3F86];
	_ =	swait.ge [sflag:s4], $0x0  }
0x19: {  	s7 =	sld [smem:$0x3F87]  }
0x1a: {  	s8 =	sadd.s32 $0xFFFFE003, lr  }
0x1b: {  	s9 =	sadd.s32 $0xFFFFFEF7, lr;
	s5 =	simm.s32 $0xFFFFFFFF;
	p2 =	slt.u32 s8, $0xFFFFF086  }
0x1c: {  	p1 =	slt.u32 s9, $0xF7A;
	s5 =	simm.s32 @!p2 $0x0  }
0x1d: {  	s5 =	simm.s32 @p1 $0x1;
	p0 =	seq.s32 s7, s2  }
0x1e: {  	s7 =	smul.u32 @!p0 $0xF7A, s2;
	p2 =	seq.s32 @!p0 s5, $0x0  }
0x1f: {  	s9 =	smul.u32 $0xF7A, s1;
	s8 =	simm.s32 @!p0 $0x1BF5;
	p2 =	por !p2, p0  }
0x20: {  	[sflag:s8] =	ssyncset.s32 @!p0 $0xFFFFF086;
	s6 =	sadd.s32 @!p0 s3, s7;
	s7 =	simm.s32 @!p0 $0x108  }
0x21: {  	s3 =	sadd.s32 s3, s9;
	s6 =	sadd.s32 @!p0 $0x88, s6;
	s7 =	simm.s32 @p2 $0x1082  }
0x22: {  	[simem:s7], [sflag:s8] =	dma.local @!p0 [hbm:s6], $0xF7A  }
0x23: {  	s9 =	sor.u32 $0xD0000000, s2;
	s6 =	simm.s32 $0x108;
	_ =	swait.ge @!p0 [sflag:s8], $0x0  }
0x24: {  	s3 =	sadd.s32 $0x88, s3;
	s6 =	simm.s32 @!p1 $0x1082;
	[sflag:s4] =	ssyncset.s32 $0xFFFFF086  }
0x25: {  	[simem:s6], [sflag:s4] =	dma.local [hbm:s3], $0xF7A  }
0x26: {  	[smem:$0x3F87] =	sst s1;
	(tag) =	ssettag s2;
	_ =	strace s9  }
0x27: {  	s1 =	sld [smem:$0x3F97]  }
0x28: {  	s2 =	sld [smem:$0x3F98]  }
0x29: {  	s4 =	sld [smem:$0x3F9A]  }
0x2a: {  	p0 =	seq.s32 s5, $0x0;
	s5 =	sld [smem:$0x3F9B]  }
0x2b: {  	s6 =	sld [smem:$0x3F9C]  }
0x2c: {  	s7 =	sld [smem:$0x3F9D]  }
0x2d: {  	s3 =	simm.s32 $0x108;
	s8 =	sld [smem:$0x3F9E]  }
0x2e: {  	s3 =	simm.s32 @!p0 $0x1082;
	s9 =	sld [smem:$0x3F9F]  }
0x2f: {  	lr =	sadd.s32 s0, s3;
	s0 =	sld [smem:$0x3F96]  }
0x30: {  	s3 =	sld [smem:$0x3F99]  }
0x31: {  	[smem:$0x3FA2] =	sst s10  }
0x32: {  	s10 =	sld [smem:$0x3FA0];
	_ =	sdelay $0x3  }
0x33: {  	p0 =	seq.s32 s10, $0x1;
	s10 =	sld [smem:$0x3FA2];
	_ =	sdelay $0x3  }
0x34: {  	[smem:$0x3FA2] =	sst s10  }
0x35: {  	s10 =	sld [smem:$0x3FA1];
	_ =	sdelay $0x3  }
0x36: {  	p1 =	seq.s32 s10, $0x1;
	s10 =	sld [smem:$0x3FA2];
	_ =	sdelay $0x3  }
0x37: {  	[smem:$0x3FA2] =	sst s10  }
0x38: {  	s10 =	sld [smem:$0x3FA3]  }
0x39: {  	_ = 	snop;
	(pc) =	sbr.ind lr, $3  }
0x3a: {  	_ = 	snop  }
0x3b: {  	_ = 	snop  }
0x3c: {  	p2 =	seq.s32 s10, $0x1;
	s10 =	sld [smem:$0x3FA2]  }
0x3d: {  	_ =	shalt  }
0x3e: {  	_ =	shalt  }
0x3f: {  	_ =	shalt  }
0x40: {  	_ =	shalt  }
0x41: {  	_ =	shalt  }
0x42: {  	_ =	shalt  }
0x43: {  	_ =	shalt  }
0x44: {  	_ =	shalt  }
0x45: {  	_ =	shalt  }
0x46: {  	_ =	shalt  }
0x47: {  	_ =	shalt  }
0x48: {  	_ =	shalt  }
0x49: {  	_ =	shalt  }
0x4a: {  	_ =	shalt  }
0x4b: {  	_ =	shalt  }
0x4c: {  	_ =	shalt  }
0x4d: {  	_ =	shalt  }
0x4e: {  	_ =	shalt  }
0x4f: {  	_ =	shalt  }
0x50: {  	_ =	shalt  }
0x51: {  	_ =	shalt  }
0x52: {  	_ =	shalt  }
0x53: {  	_ =	shalt  }
0x54: {  	_ =	shalt  }
0x55: {  	_ =	shalt  }
0x56: {  	_ =	shalt  }
0x57: {  	_ =	shalt  }
0x58: {  	_ =	shalt  }
0x59: {  	_ =	shalt  }
0x5a: {  	_ =	shalt  }
0x5b: {  	_ =	shalt  }
0x5c: {  	_ =	shalt  }
0x5d: {  	_ =	shalt  }
0x5e: {  	_ =	shalt  }
0x5f: {  	_ =	shalt  }
0x60: {  	_ =	shalt  }
0x61: {  	_ =	shalt  }
0x62: {  	_ =	shalt  }
0x63: {  	_ =	shalt  }
0x64: {  	_ =	shalt  }
0x65: {  	_ =	shalt  }
0x66: {  	_ =	shalt  }
0x67: {  	_ =	shalt  }
0x68: {  	_ =	shalt  }
0x69: {  	_ =	shalt  }
0x6a: {  	_ =	shalt  }
0x6b: {  	_ =	shalt  }
0x6c: {  	_ =	shalt  }
0x6d: {  	_ =	shalt  }
0x6e: {  	_ =	shalt  }
0x6f: {  	_ =	shalt  }
0x70: {  	_ =	shalt  }
0x71: {  	_ =	shalt  }
0x72: {  	_ =	shalt  }
0x73: {  	_ =	shalt  }
0x74: {  	_ =	shalt  }
0x75: {  	_ =	shalt  }
0x76: {  	_ =	shalt  }
0x77: {  	_ =	shalt  }
0x78: {  	_ =	shalt  }
0x79: {  	_ =	shalt  }
0x7a: {  	_ =	shalt  }
0x7b: {  	_ =	shalt  }
0x7c: {  	_ =	shalt  }
0x7d: {  	_ =	shalt  }
0x7e: {  	_ =	shalt  }
0x7f: {  	_ =	shalt  }
0x80: {  	_ =	shalt  }
0x81: {  	_ =	shalt  }
0x82: {  	_ =	shalt  }
0x83: {  	_ =	shalt  }
0x84: {  	_ =	shalt  }
0x85: {  	_ =	shalt  }
0x86: {  	_ =	shalt  }
0x87: {  	_ =	shalt  }
.Lfunc_end0:
.L_simem_size_0:
called_computation.3_lowered:
.L_overlay_start_0:
0x88: {  	s2 =	sld [smem:$0x3FD9]  }
0x89: {  	s3 =	sld [smem:$0x3FFE];
	_ =	sdelay $0x1  }
0x8a: {  	s1 =	srdreg.scid  }
0x8b: {  	s0 =	sand.u32 $0x1, s1  }
0x8c: {  	s16 =	sshll.u32 s0, $0xA;
	s2 =	sadd.s32 s3, s2  }
0x8d: {  	s2 =	sadd.s32 s2, s16  }
0x8e: {  	[smem:$0x3FAE] =	sst s2  }
0x8f: {  	_ = 	snop  }
0x90: {  	(tm) =	ssettm $0x1  }
0x91: {  	s17 =	sld [smem:$0x3FFB];
	_ =	sdelay $0x3  }
0x92: {  	_ =	strace s17  }
0x93: {  	s2 =	sld [smem:$0x3FFC];
	_ =	sdelay $0x3  }
0x94: {  	_ =	strace s2  }
0x95: {  	s2 =	sld [smem:$0x3FFD];
	_ =	sdelay $0x3  }
0x96: {  	_ =	strace s2  }
0x97: {  	_ =	strace $0x8FFFFFFF  }
0x98: {  	s18 =	sld [smem:$0x3FDB];
	_ =	sdelay $0x1  }
0x99: {  	s19 =	simm.s32 $_scs_section_size  }
0x9a: {  	s4 =	simm.s32 $_size__tile_overlayer_lowered;
	s5 =	simm.s32 $_tile_overlayer_lowered  }
0x9b: {  	s22 =	simm.s32 $0x1BFF;
	s21 =	sshll.u32 s5, $0x1;
	s2 =	sadd.s32 s19, s18  }
0x9c: {  	s6 =	simm.s32 $0x0;
	s20 =	sshll.u32 s4, $0x1;
	s4 =	sadd.s32 s21, s2  }
0x9d: {  	[timem:s6], [sflag:s22] =	dma.local [hbm:s4], s20  }
0x9e: {  	_ =	swait.ge [sflag:s22], s20  }
0x9f: {  	s3 =	ssub.s32 $0x0, s20;
	[sflag:s22] =	ssyncset.done $0x0  }
0xa0: {  	[sflag:s22] =	ssyncadd.s32 s3;
	_ =	sdelay $0x1  }
0xa1: {  	s23 =	simm.s32 $0x1B8B  }
0xa2: {  	_ =	swait.ge [sflag:s23], $0x1  }
0xa3: {  	[sflag:s23] =	ssyncset.done $0x0  }
0xa4: {  	s25 =	simm.s32 $0x1B8E;
	s24 =	sld [smem:$0x3FFE];
	[sflag:s23] =	ssyncadd.s32 $0xFFFFFFFF  }
0xa5: {  	s26 =	simm.s32 $execute0_lowered;
	[smem:$0x3FD2] =	sst s25  }
0xa6: {  	s4 =	sshll.u32 s26, $0x1;
	_ =	strace $0x8000004F;
	[dreg:$0x1] =	wrdreg $0xFFFFFFFF  }
0xa7: {  	s28 =	simm.s32 $_size_execute0_lowered;
	s2 =	sadd.s32 s2, s4;
	[dreg:$0x0] =	wrdreg $0x0  }
0xa8: {  	s4 =	sshll.u32 s28, $0x1;
	[dreg:$0x2] =	wrdreg s2  }
0xa9: {  	[dreg:$0x3] =	wrdreg s4  }
0xaa: {  	[dreg:$0x4] =	wrdreg $0xC0  }
0xab: {  	_ =	task [dreg:s6], $0x5FFFF  }
0xac: {  	[dreg:$0x1] =	wrdreg $0xFFFFFFFF  }
0xad: {  	[dreg:$0x0] =	wrdreg $0x60  }
0xae: {  	[dreg:$0x2] =	wrdreg s24  }
0xaf: {  	[dreg:$0x3] =	wrdreg $0x9  }
0xb0: {  	_ =	task.clear_ibuf [dreg:s6], $0x4FFFF;
	_ =	strace $0x9000004F  }
0xb1: {  	s29 =	simm.s32 $0x9;
	_ =	strace $0x80000051  }
0xb2: {  	_ =	swait.ge [sflag:s29], $0x1  }
0xb3: {  	[sflag:s29] =	ssyncadd.s32 $0xFFFFFFFF  }
0xb4: {  	_ =	strace $0x90000051  }
0xb5: {  	_ =	sfence  }
0xb6: {  	s30 =	sld [smem:$0x0];
	_ =	sdelay $0x2  }
0xb7: {  	s31 =	sshll.u32 s1, $0xD;
	s1 =	sshrl.u32 s1, $0x2  }
0xb8: {  	s3 =	sand.u32 $0x4000, s31;
	s1 =	sadd.s32 s1, s30  }
0xb9: {  	s0 =	sor.u32 s3, s0;
	s1 =	sshll.u32 s1, $0x11  }
0xba: {  	s0 =	sor.u32 s1, s0  }
0xbb: {  	s0 =	sadd.s32 $0x8F2B, s0  }
0xbc: {  	[sflag:s0] =	ssyncadd.remote.s32 $0x1  }
0xbd: {  	_ =	sfence.sel $0xFFFF  }
0xbe: {  	[dreg:$0x0] =	wrdreg $0xFFFFFFFF;
	(pc) =	sbr.abs _section_cstart, $3  }
0xbf: {  	[dreg:$0x1] =	wrdreg $0xFFFFFFFF  }
0xc0: {  	_ =	task.clear_ibuf [dreg:s6], $0x2FFFF;
	_ =	strace $0x9FFFFFFF  }
0xc1: {  	(tm) =	ssettm $0x7FFFFFFF  }
tec
execute0_lowered:
.L_overlay_start_1:
0x0: {  	(tag) =	ssettag $0x1  }
0x1: {  	s1 =	srdreg.scid  }
0x2: {  	s0 =	stileid.u32;
	s6 =	sand.u32 $0x1, s1  }
0x3: {  	s8 =	rddreg [dreg:$0x0];
	s30 =	sshll.u32 s0, $0x8;
	s2 =	sshll.u32 s6, $0x7  }
0x4: {  	s7 =	simm.s32 $0x1;
	s1 =	rddreg [dreg:$0x1];
	s9 =	sor.u32 s2, s30  }
0x5: {  	s5 =	sadd.s32 $0x12E00, s8;
	s2 =	simm.s32 $0x0;
	s3 =	sshrl.u32 s9, $0x3  }
0x6: {  	s10 =	ssub.s32 $0x2, s6;
	[smem:$0x7FF] =	sst s2;
	s3 =	sadd.s32 s3, s8  }
0x7: {  	_ =	strace $0x80000050;
	s4 =	sadd.s32 $0x12C00, s3;
	s3 =	simm.s32 $0x2  }
0x8: {  	[tilespmem:s2], [sflag:$0x2] =	stream.linear.gather [hbm4b:s4+s2], $0x80, $0x38;
	[tilespmem:$0x10080] =	vst v63  }
0x9: {  	s6 =	simm.s32 $0x80;
	s11 =	sshrl.u32 s10, $0x1;
	_ =	swait.ge [sflag:s3], $0x80  }
0xa: {  	s9 =	sshll.u32 s9, $0x6;
	s31 =	ssub.s32 s10, s11;
	[sflag:s3] =	ssyncset.done $0x0  }
0xb: {  	s8 =	sadd.s32 s9, s8;
	s9 =	smax.u32 s31, $0x1;
	[sflag:s3] =	ssyncadd.s32 $0xFFFFFF80  }
0xc: {  	[tilespmem:s6], [sflag:$0x1] =	stream.indirect.gather [hbm4b:s5+s6], $0x200, s2, s6, $0xb8;
	[tilespmem:$0x10080] =	vst v63  }
0xd: {  	p0 =	sne.s32 s9, $0x1;
	_ =	swait.ge [sflag:s7], $0x10000  }
.Ltmp0:
0xe: {  	[sflag:s7] =	ssyncset.done $0x0;
	(pc) =	sbr.rel @!p0 .LBB2_2-.Ltmp0, $4  }
0xf: {  	s8 =	sadd.s32 $0x72E00, s8;
	[sflag:s7] =	ssyncadd.s32 $0xFFFF0000  }
0x10: {  	[hbm4b:s8+s2] =	stream.linear.scatter [tilespmem:s6], [sflag:$0x2], $0x10000, $0x38;
	[tilespmem:$0x10080] =	vst v63  }
0x11: {  	_ =	swait.ge [sflag:s3], $0x10000  }
0x12: {  	s9 =	sadd.s32 $0xFFFFFFFF, s9;
	[sflag:s3] =	ssyncset.done $0x0  }
.LBB2_1:
0x13: {  	p0 =	sne.s32 s9, $0x1;
	s9 =	sadd.s32 $0xFFFFFFFF, s9;
	[sflag:s3] =	ssyncadd.s32 $0xFFFF0000  }
0x14: {  	[tilespmem:s2], [sflag:$0x2] =	stream.linear.gather [hbm4b:s4+s2], $0x80, $0x38;
	[tilespmem:$0x10080] =	vst v63  }
0x15: {  	_ =	swait.ge [sflag:s3], $0x80  }
0x16: {  	[sflag:s3] =	ssyncset.done $0x0  }
0x17: {  	[sflag:s3] =	ssyncadd.s32 $0xFFFFFF80  }
0x18: {  	[tilespmem:s6], [sflag:$0x1] =	stream.indirect.gather [hbm4b:s5+s6], $0x200, s2, s6, $0xb8;
	[tilespmem:$0x10080] =	vst v63  }
0x19: {  	_ =	swait.ge [sflag:s7], $0x10000  }
.Ltmp1:
0x1a: {  	[sflag:s7] =	ssyncset.done $0x0;
	(pc) =	sbr.rel @p0 .LBB2_1-.Ltmp1, $4  }
0x1b: {  	[sflag:s7] =	ssyncadd.s32 $0xFFFF0000  }
0x1c: {  	[hbm4b:s8+s2] =	stream.linear.scatter [tilespmem:s6], [sflag:$0x2], $0x10000, $0x38;
	[tilespmem:$0x10080] =	vst v63  }
0x1d: {  	_ =	swait.ge [sflag:s3], $0x10000  }
0x1e: {  	[sflag:s3] =	ssyncset.done $0x0  }
.LBB2_2:
0x1f: {  	[sflag:s3] =	ssyncadd.s32 $0xFFFF0000  }
0x20: {  	_ =	sfence.sel $0x180000  }
0x21: {  	[bflag:$0x0] =	sbarrier.arrive $0xFFFF  }
0x22: {  	p0 =	sne.s32 s0, $0x0;
	_ =	strace $0x90000050  }
0x23: {  	s0 =	sadd.s32 @!p0 $0x100000, s1;
	[bflag:$0x2] =	sbarrier.arrive $0xFFFF  }
0x24: {  	[sflag:s0] =	ssyncadd.tile.s32 @!p0 $0x1;
	_ =	shalt  }
.Lfunc_end2:
_tile_overlayer_lowered:
.L_overlay_start_2:
0x25: {  	(tag) =	ssettag $0x2  }
0x26: {  	s0 =	rddreg [dreg:$0x0];
	s2 =	stileid.u32  }
0x27: {  	s1 =	rddreg [dreg:$0x1];
	p0 =	sne.s32 s2, $0x0  }
0x28: {  	s3 =	rddreg [dreg:$0x2];
	[bflag:$0x3] =	sbarrier.arrive $0xFFFF;
	s2 =	simm.s32 @!p0 $0x1C02  }
0x29: {  	[timem:s3], [sflag:s2] =	dma.local @!p0 [hbm:s0], s1  }
0x2a: {  	s0 =	simm.s32 @!p0 $0x2  }
0x2b: {  	_ =	swait.ge @!p0 [sflag:s0], s1  }
0x2c: {  	s1 =	ssub.s32 @!p0 $0x0, s1;
	[sflag:s0] =	ssyncset.done @!p0 $0x0  }
0x2d: {  	[sflag:s0] =	ssyncadd.s32 @!p0 s1  }
0x2e: {  	[bflag:$0x3] =	sbarrier.arrive $0xFFFF  }
0x2f: {  	_ =	shalt  }

// kernel: kernel.27.cloned.1.call-start
scs
__scs_entry_jumppad:
0x0: {  	(pc) =	sbr.rel $0x88, $3  }
0x1: {  	(tag) =	ssettag $0x0;
	lr =	simm.s32 $0x1  }
0x2: {  	[smem:$0x3F87] =	sst lr;
	_ =	strace $0xD0000000  }
0x3: {  	_ = 	snop  }
0x4: {  	_ = 	snop  }
0x5: {  	_ = 	snop  }
0x6: {  	_ = 	snop  }
0x7: {  	_ = 	snop  }
__scs_overlays_trampoline_lowered:
0x8: {  	[smem:$0x3F96] =	sst s0  }
0x9: {  	[smem:$0x3F97] =	sst s1  }
0xa: {  	[smem:$0x3F98] =	sst s2  }
0xb: {  	[smem:$0x3F99] =	sst s3  }
0xc: {  	[smem:$0x3F9A] =	sst s4  }
0xd: {  	[smem:$0x3F9B] =	sst s5  }
0xe: {  	[smem:$0x3F9C] =	sst s6  }
0xf: {  	[smem:$0x3F9D] =	sst s7  }
0x10: {  	[smem:$0x3F9E] =	sst s8  }
0x11: {  	[smem:$0x3F9F] =	sst s9;
	s0 =	simm.s32 @!p0 $0x0  }
0x12: {  	s1 =	sld [smem:$0x3F85];
	s0 =	simm.s32 @p0 $0x1  }
0x13: {  	[smem:$0x3FA0] =	sst s0;
	s0 =	simm.s32 @!p1 $0x0  }
0x14: {  	s2 =	sld [smem:$0x3F84];
	s0 =	simm.s32 @p1 $0x1  }
0x15: {  	[smem:$0x3FA1] =	sst s0;
	s0 =	simm.s32 @!p2 $0x0  }
0x16: {  	s3 =	sld [smem:$0x3FDB];
	s0 =	simm.s32 @p2 $0x1  }
0x17: {  	s4 =	simm.s32 $0x1BF5;
	[smem:$0x3FA3] =	sst s0  }
0x18: {  	s0 =	sld [smem:$0x3F86];
	_ =	swait.ge [sflag:s4], $0x0  }
0x19: {  	s7 =	sld [smem:$0x3F87]  }
0x1a: {  	s8 =	sadd.s32 $0xFFFFE003, lr  }
0x1b: {  	s9 =	sadd.s32 $0xFFFFFEF7, lr;
	s5 =	simm.s32 $0xFFFFFFFF;
	p2 =	slt.u32 s8, $0xFFFFF086  }
0x1c: {  	p1 =	slt.u32 s9, $0xF7A;
	s5 =	simm.s32 @!p2 $0x0  }
0x1d: {  	s5 =	simm.s32 @p1 $0x1;
	p0 =	seq.s32 s7, s2  }
0x1e: {  	s7 =	smul.u32 @!p0 $0xF7A, s2;
	p2 =	seq.s32 @!p0 s5, $0x0  }
0x1f: {  	s9 =	smul.u32 $0xF7A, s1;
	s8 =	simm.s32 @!p0 $0x1BF5;
	p2 =	por !p2, p0  }
0x20: {  	[sflag:s8] =	ssyncset.s32 @!p0 $0xFFFFF086;
	s6 =	sadd.s32 @!p0 s3, s7;
	s7 =	simm.s32 @!p0 $0x108  }
0x21: {  	s3 =	sadd.s32 s3, s9;
	s6 =	sadd.s32 @!p0 $0x88, s6;
	s7 =	simm.s32 @p2 $0x1082  }
0x22: {  	[simem:s7], [sflag:s8] =	dma.local @!p0 [hbm:s6], $0xF7A  }
0x23: {  	s9 =	sor.u32 $0xD0000000, s2;
	s6 =	simm.s32 $0x108;
	_ =	swait.ge @!p0 [sflag:s8], $0x0  }
0x24: {  	s3 =	sadd.s32 $0x88, s3;
	s6 =	simm.s32 @!p1 $0x1082;
	[sflag:s4] =	ssyncset.s32 $0xFFFFF086  }
0x25: {  	[simem:s6], [sflag:s4] =	dma.local [hbm:s3], $0xF7A  }
0x26: {  	[smem:$0x3F87] =	sst s1;
	(tag) =	ssettag s2;
	_ =	strace s9  }
0x27: {  	s1 =	sld [smem:$0x3F97]  }
0x28: {  	s2 =	sld [smem:$0x3F98]  }
0x29: {  	s4 =	sld [smem:$0x3F9A]  }
0x2a: {  	p0 =	seq.s32 s5, $0x0;
	s5 =	sld [smem:$0x3F9B]  }
0x2b: {  	s6 =	sld [smem:$0x3F9C]  }
0x2c: {  	s7 =	sld [smem:$0x3F9D]  }
0x2d: {  	s3 =	simm.s32 $0x108;
	s8 =	sld [smem:$0x3F9E]  }
0x2e: {  	s3 =	simm.s32 @!p0 $0x1082;
	s9 =	sld [smem:$0x3F9F]  }
0x2f: {  	lr =	sadd.s32 s0, s3;
	s0 =	sld [smem:$0x3F96]  }
0x30: {  	s3 =	sld [smem:$0x3F99]  }
0x31: {  	[smem:$0x3FA2] =	sst s10  }
0x32: {  	s10 =	sld [smem:$0x3FA0];
	_ =	sdelay $0x3  }
0x33: {  	p0 =	seq.s32 s10, $0x1;
	s10 =	sld [smem:$0x3FA2];
	_ =	sdelay $0x3  }
0x34: {  	[smem:$0x3FA2] =	sst s10  }
0x35: {  	s10 =	sld [smem:$0x3FA1];
	_ =	sdelay $0x3  }
0x36: {  	p1 =	seq.s32 s10, $0x1;
	s10 =	sld [smem:$0x3FA2];
	_ =	sdelay $0x3  }
0x37: {  	[smem:$0x3FA2] =	sst s10  }
0x38: {  	s10 =	sld [smem:$0x3FA3]  }
0x39: {  	_ = 	snop;
	(pc) =	sbr.ind lr, $3  }
0x3a: {  	_ = 	snop  }
0x3b: {  	_ = 	snop  }
0x3c: {  	p2 =	seq.s32 s10, $0x1;
	s10 =	sld [smem:$0x3FA2]  }
0x3d: {  	_ =	shalt  }
0x3e: {  	_ =	shalt  }
0x3f: {  	_ =	shalt  }
0x40: {  	_ =	shalt  }
0x41: {  	_ =	shalt  }
0x42: {  	_ =	shalt  }
0x43: {  	_ =	shalt  }
0x44: {  	_ =	shalt  }
0x45: {  	_ =	shalt  }
0x46: {  	_ =	shalt  }
0x47: {  	_ =	shalt  }
0x48: {  	_ =	shalt  }
0x49: {  	_ =	shalt  }
0x4a: {  	_ =	shalt  }
0x4b: {  	_ =	shalt  }
0x4c: {  	_ =	shalt  }
0x4d: {  	_ =	shalt  }
0x4e: {  	_ =	shalt  }
0x4f: {  	_ =	shalt  }
0x50: {  	_ =	shalt  }
0x51: {  	_ =	shalt  }
0x52: {  	_ =	shalt  }
0x53: {  	_ =	shalt  }
0x54: {  	_ =	shalt  }
0x55: {  	_ =	shalt  }
0x56: {  	_ =	shalt  }
0x57: {  	_ =	shalt  }
0x58: {  	_ =	shalt  }
0x59: {  	_ =	shalt  }
0x5a: {  	_ =	shalt  }
0x5b: {  	_ =	shalt  }
0x5c: {  	_ =	shalt  }
0x5d: {  	_ =	shalt  }
0x5e: {  	_ =	shalt  }
0x5f: {  	_ =	shalt  }
0x60: {  	_ =	shalt  }
0x61: {  	_ =	shalt  }
0x62: {  	_ =	shalt  }
0x63: {  	_ =	shalt  }
0x64: {  	_ =	shalt  }
0x65: {  	_ =	shalt  }
0x66: {  	_ =	shalt  }
0x67: {  	_ =	shalt  }
0x68: {  	_ =	shalt  }
0x69: {  	_ =	shalt  }
0x6a: {  	_ =	shalt  }
0x6b: {  	_ =	shalt  }
0x6c: {  	_ =	shalt  }
0x6d: {  	_ =	shalt  }
0x6e: {  	_ =	shalt  }
0x6f: {  	_ =	shalt  }
0x70: {  	_ =	shalt  }
0x71: {  	_ =	shalt  }
0x72: {  	_ =	shalt  }
0x73: {  	_ =	shalt  }
0x74: {  	_ =	shalt  }
0x75: {  	_ =	shalt  }
0x76: {  	_ =	shalt  }
0x77: {  	_ =	shalt  }
0x78: {  	_ =	shalt  }
0x79: {  	_ =	shalt  }
0x7a: {  	_ =	shalt  }
0x7b: {  	_ =	shalt  }
0x7c: {  	_ =	shalt  }
0x7d: {  	_ =	shalt  }
0x7e: {  	_ =	shalt  }
0x7f: {  	_ =	shalt  }
0x80: {  	_ =	shalt  }
0x81: {  	_ =	shalt  }
0x82: {  	_ =	shalt  }
0x83: {  	_ =	shalt  }
0x84: {  	_ =	shalt  }
0x85: {  	_ =	shalt  }
0x86: {  	_ =	shalt  }
0x87: {  	_ =	shalt  }
.Lfunc_end0:
.L_simem_size_0:
called_computation.4_lowered:
.L_overlay_start_0:
0x88: {  	s2 =	sld [smem:$0x3FD9]  }
0x89: {  	s3 =	sld [smem:$0x3FFE];
	_ =	sdelay $0x1  }
0x8a: {  	s1 =	srdreg.scid  }
0x8b: {  	s0 =	sand.u32 $0x1, s1  }
0x8c: {  	s16 =	sshll.u32 s0, $0xA;
	s2 =	sadd.s32 s3, s2  }
0x8d: {  	s2 =	sadd.s32 s2, s16  }
0x8e: {  	[smem:$0x3FAE] =	sst s2  }
0x8f: {  	_ = 	snop  }
0x90: {  	(tm) =	ssettm $0x1  }
0x91: {  	s17 =	sld [smem:$0x3FFB];
	_ =	sdelay $0x3  }
0x92: {  	_ =	strace s17  }
0x93: {  	s2 =	sld [smem:$0x3FFC];
	_ =	sdelay $0x3  }
0x94: {  	_ =	strace s2  }
0x95: {  	s2 =	sld [smem:$0x3FFD];
	_ =	sdelay $0x3  }
0x96: {  	_ =	strace s2  }
0x97: {  	_ =	strace $0x8FFFFFFF  }
0x98: {  	s18 =	sld [smem:$0x3FDB];
	_ =	sdelay $0x1  }
0x99: {  	s19 =	simm.s32 $_scs_section_size  }
0x9a: {  	s4 =	simm.s32 $_size__tile_overlayer_lowered;
	s5 =	simm.s32 $_tile_overlayer_lowered  }
0x9b: {  	s22 =	simm.s32 $0x1BFF;
	s21 =	sshll.u32 s5, $0x1;
	s2 =	sadd.s32 s19, s18  }
0x9c: {  	s6 =	simm.s32 $0x0;
	s20 =	sshll.u32 s4, $0x1;
	s4 =	sadd.s32 s21, s2  }
0x9d: {  	[timem:s6], [sflag:s22] =	dma.local [hbm:s4], s20  }
0x9e: {  	_ =	swait.ge [sflag:s22], s20  }
0x9f: {  	s3 =	ssub.s32 $0x0, s20;
	[sflag:s22] =	ssyncset.done $0x0  }
0xa0: {  	[sflag:s22] =	ssyncadd.s32 s3;
	_ =	sdelay $0x1  }
0xa1: {  	s23 =	simm.s32 $0x1B8B  }
0xa2: {  	_ =	swait.ge [sflag:s23], $0x1  }
0xa3: {  	[sflag:s23] =	ssyncset.done $0x0  }
0xa4: {  	s25 =	simm.s32 $0x1B8E;
	s24 =	sld [smem:$0x3FFE];
	[sflag:s23] =	ssyncadd.s32 $0xFFFFFFFF  }
0xa5: {  	s26 =	simm.s32 $execute0_lowered;
	[smem:$0x3FD2] =	sst s25  }
0xa6: {  	s4 =	sshll.u32 s26, $0x1;
	_ =	strace $0x80000052;
	[dreg:$0x1] =	wrdreg $0xFFFFFFFF  }
0xa7: {  	s28 =	simm.s32 $_size_execute0_lowered;
	s2 =	sadd.s32 s2, s4;
	[dreg:$0x0] =	wrdreg $0x0  }
0xa8: {  	s4 =	sshll.u32 s28, $0x1;
	[dreg:$0x2] =	wrdreg s2  }
0xa9: {  	[dreg:$0x3] =	wrdreg s4  }
0xaa: {  	[dreg:$0x4] =	wrdreg $0xC0  }
0xab: {  	_ =	task [dreg:s6], $0x5FFFF  }
0xac: {  	[dreg:$0x1] =	wrdreg $0xFFFFFFFF  }
0xad: {  	[dreg:$0x0] =	wrdreg $0x60  }
0xae: {  	[dreg:$0x2] =	wrdreg s24  }
0xaf: {  	[dreg:$0x3] =	wrdreg $0x9  }
0xb0: {  	_ =	task.clear_ibuf [dreg:s6], $0x4FFFF;
	_ =	strace $0x90000052  }
0xb1: {  	s29 =	simm.s32 $0x9;
	_ =	strace $0x80000054  }
0xb2: {  	_ =	swait.ge [sflag:s29], $0x1  }
0xb3: {  	[sflag:s29] =	ssyncadd.s32 $0xFFFFFFFF  }
0xb4: {  	_ =	strace $0x90000054  }
0xb5: {  	_ =	sfence  }
0xb6: {  	s30 =	sld [smem:$0x0];
	_ =	sdelay $0x2  }
0xb7: {  	s31 =	sshll.u32 s1, $0xD;
	s1 =	sshrl.u32 s1, $0x2  }
0xb8: {  	s3 =	sand.u32 $0x4000, s31;
	s1 =	sadd.s32 s1, s30  }
0xb9: {  	s0 =	sor.u32 s3, s0;
	s1 =	sshll.u32 s1, $0x11  }
0xba: {  	s0 =	sor.u32 s1, s0  }
0xbb: {  	s0 =	sadd.s32 $0x8F2B, s0  }
0xbc: {  	[sflag:s0] =	ssyncadd.remote.s32 $0x1  }
0xbd: {  	_ =	sfence.sel $0xFFFF  }
0xbe: {  	[dreg:$0x0] =	wrdreg $0xFFFFFFFF;
	(pc) =	sbr.abs _section_cstart, $3  }
0xbf: {  	[dreg:$0x1] =	wrdreg $0xFFFFFFFF  }
0xc0: {  	_ =	task.clear_ibuf [dreg:s6], $0x2FFFF;
	_ =	strace $0x9FFFFFFF  }
0xc1: {  	(tm) =	ssettm $0x7FFFFFFF  }
tec
execute0_lowered:
.L_overlay_start_1:
0x0: {  	(tag) =	ssettag $0x1  }
0x1: {  	s1 =	srdreg.scid  }
0x2: {  	s0 =	stileid.u32;
	s5 =	sand.u32 $0x1, s1  }
0x3: {  	s7 =	rddreg [dreg:$0x0];
	s3 =	sshll.u32 s0, $0x8;
	s4 =	sshll.u32 s5, $0x7  }
0x4: {  	s2 =	simm.s32 $0x0;
	s1 =	rddreg [dreg:$0x1];
	s3 =	sor.u32 s4, s3  }
0x5: {  	[smem:$0x7FF] =	sst s2;
	s8 =	ssub.s32 $0x2, s5;
	s4 =	sshrl.u32 s3, $0x3  }
0x6: {  	_ =	strace $0x80000053;
	s9 =	sshrl.u32 s8, $0x1;
	s4 =	sadd.s32 s4, s7  }
0x7: {  	s6 =	sshll.u32 s3, $0x6;
	s3 =	sadd.s32 $0x2AC00, s4;
	s4 =	simm.s32 $0x2  }
0x8: {  	[tilespmem:s2], [sflag:$0x2] =	stream.linear.gather [hbm4b:s3+s2], $0x80, $0x38;
	[tilespmem:$0x10080] =	vst v63  }
0x9: {  	s8 =	ssub.s32 s8, s9;
	s6 =	sand.u32 $0x1E000, s6;
	_ =	swait.ge [sflag:s4], $0x80  }
0xa: {  	s9 =	smax.u32 s8, $0x1;
	s6 =	sadd.s32 s6, s7;
	[sflag:s4] =	ssyncset.done $0x0  }
0xb: {  	s5 =	sadd.s32 $0xAC00, s6;
	s6 =	simm.s32 $0x80;
	[sflag:s4] =	ssyncadd.s32 $0xFFFFFF80  }
0xc: {  	[tilespmem:s6], [sflag:$0x2] =	stream.linear.gather [hbm4b:s5+s2], $0x10000, $0x38;
	[tilespmem:$0x10080] =	vst v63  }
0xd: {  	p0 =	sne.s32 s9, $0x1;
	_ =	swait.ge [sflag:s4], $0x10000  }
.Ltmp0:
0xe: {  	[sflag:s4] =	ssyncset.done $0x0;
	(pc) =	sbr.rel @!p0 .LBB2_2-.Ltmp0, $4  }
0xf: {  	s8 =	simm.s32 $0x1;
	s7 =	sadd.s32 $0x2AE00, s7;
	[sflag:s4] =	ssyncadd.s32 $0xFFFF0000  }
0x10: {  	[hbm4b:s7+s6] =	stream.indirect.scatter [tilespmem:s6], [sflag:$0x1], $0x200, s2, s6, $0xb8;
	[tilespmem:$0x10080] =	vst v63  }
0x11: {  	_ =	swait.ge [sflag:s8], $0x10000  }
0x12: {  	s9 =	sadd.s32 $0xFFFFFFFF, s9;
	[sflag:s8] =	ssyncset.done $0x0  }
.LBB2_1:
0x13: {  	p0 =	sne.s32 s9, $0x1;
	s9 =	sadd.s32 $0xFFFFFFFF, s9;
	[sflag:s8] =	ssyncadd.s32 $0xFFFF0000  }
0x14: {  	[tilespmem:s2], [sflag:$0x2] =	stream.linear.gather [hbm4b:s3+s2], $0x80, $0x38;
	[tilespmem:$0x10080] =	vst v63  }
0x15: {  	_ =	swait.ge [sflag:s4], $0x80  }
0x16: {  	[sflag:s4] =	ssyncset.done $0x0  }
0x17: {  	[sflag:s4] =	ssyncadd.s32 $0xFFFFFF80  }
0x18: {  	[tilespmem:s6], [sflag:$0x2] =	stream.linear.gather [hbm4b:s5+s2], $0x10000, $0x38;
	[tilespmem:$0x10080] =	vst v63  }
0x19: {  	_ =	swait.ge [sflag:s4], $0x10000  }
.Ltmp1:
0x1a: {  	[sflag:s4] =	ssyncset.done $0x0;
	(pc) =	sbr.rel @p0 .LBB2_1-.Ltmp1, $4  }
0x1b: {  	[sflag:s4] =	ssyncadd.s32 $0xFFFF0000  }
0x1c: {  	[hbm4b:s7+s6] =	stream.indirect.scatter [tilespmem:s6], [sflag:$0x1], $0x200, s2, s6, $0xb8;
	[tilespmem:$0x10080] =	vst v63  }
0x1d: {  	_ =	swait.ge [sflag:s8], $0x10000  }
0x1e: {  	[sflag:s8] =	ssyncset.done $0x0  }
.LBB2_2:
0x1f: {  	[sflag:s8] =	ssyncadd.s32 $0xFFFF0000  }
0x20: {  	_ =	sfence.sel $0x180000  }
0x21: {  	[bflag:$0x0] =	sbarrier.arrive $0xFFFF  }
0x22: {  	p0 =	sne.s32 s0, $0x0;
	_ =	strace $0x90000053  }
0x23: {  	s0 =	sadd.s32 @!p0 $0x100000, s1;
	[bflag:$0x2] =	sbarrier.arrive $0xFFFF  }
0x24: {  	[sflag:s0] =	ssyncadd.tile.s32 @!p0 $0x1;
	_ =	shalt  }
.Lfunc_end2:
_tile_overlayer_lowered:
.L_overlay_start_2:
0x25: {  	(tag) =	ssettag $0x2  }
0x26: {  	s0 =	rddreg [dreg:$0x0];
	s2 =	stileid.u32  }
0x27: {  	s1 =	rddreg [dreg:$0x1];
	p0 =	sne.s32 s2, $0x0  }
0x28: {  	s3 =	rddreg [dreg:$0x2];
	[bflag:$0x3] =	sbarrier.arrive $0xFFFF;
	s2 =	simm.s32 @!p0 $0x1C02  }
0x29: {  	[timem:s3], [sflag:s2] =	dma.local @!p0 [hbm:s0], s1  }
0x2a: {  	s0 =	simm.s32 @!p0 $0x2  }
0x2b: {  	_ =	swait.ge @!p0 [sflag:s0], s1  }
0x2c: {  	s1 =	ssub.s32 @!p0 $0x0, s1;
	[sflag:s0] =	ssyncset.done @!p0 $0x0  }
0x2d: {  	[sflag:s0] =	ssyncadd.s32 @!p0 s1  }
0x2e: {  	[bflag:$0x3] =	sbarrier.arrive $0xFFFF  }
0x2f: {  	_ =	shalt  }

// kernel: kernel.30.cloned.1.call-start
scs
__scs_entry_jumppad:
0x0: {  	(pc) =	sbr.rel $0x88, $3  }
0x1: {  	(tag) =	ssettag $0x0;
	lr =	simm.s32 $0x1  }
0x2: {  	[smem:$0x3F87] =	sst lr;
	_ =	strace $0xD0000000  }
0x3: {  	_ = 	snop  }
0x4: {  	_ = 	snop  }
0x5: {  	_ = 	snop  }
0x6: {  	_ = 	snop  }
0x7: {  	_ = 	snop  }
__scs_overlays_trampoline_lowered:
0x8: {  	[smem:$0x3F96] =	sst s0  }
0x9: {  	[smem:$0x3F97] =	sst s1  }
0xa: {  	[smem:$0x3F98] =	sst s2  }
0xb: {  	[smem:$0x3F99] =	sst s3  }
0xc: {  	[smem:$0x3F9A] =	sst s4  }
0xd: {  	[smem:$0x3F9B] =	sst s5  }
0xe: {  	[smem:$0x3F9C] =	sst s6  }
0xf: {  	[smem:$0x3F9D] =	sst s7  }
0x10: {  	[smem:$0x3F9E] =	sst s8  }
0x11: {  	[smem:$0x3F9F] =	sst s9;
	s0 =	simm.s32 @!p0 $0x0  }
0x12: {  	s1 =	sld [smem:$0x3F85];
	s0 =	simm.s32 @p0 $0x1  }
0x13: {  	[smem:$0x3FA0] =	sst s0;
	s0 =	simm.s32 @!p1 $0x0  }
0x14: {  	s2 =	sld [smem:$0x3F84];
	s0 =	simm.s32 @p1 $0x1  }
0x15: {  	[smem:$0x3FA1] =	sst s0;
	s0 =	simm.s32 @!p2 $0x0  }
0x16: {  	s3 =	sld [smem:$0x3FDB];
	s0 =	simm.s32 @p2 $0x1  }
0x17: {  	s4 =	simm.s32 $0x1BF5;
	[smem:$0x3FA3] =	sst s0  }
0x18: {  	s0 =	sld [smem:$0x3F86];
	_ =	swait.ge [sflag:s4], $0x0  }
0x19: {  	s7 =	sld [smem:$0x3F87]  }
0x1a: {  	s8 =	sadd.s32 $0xFFFFE003, lr  }
0x1b: {  	s9 =	sadd.s32 $0xFFFFFEF7, lr;
	s5 =	simm.s32 $0xFFFFFFFF;
	p2 =	slt.u32 s8, $0xFFFFF086  }
0x1c: {  	p1 =	slt.u32 s9, $0xF7A;
	s5 =	simm.s32 @!p2 $0x0  }
0x1d: {  	s5 =	simm.s32 @p1 $0x1;
	p0 =	seq.s32 s7, s2  }
0x1e: {  	s7 =	smul.u32 @!p0 $0xF7A, s2;
	p2 =	seq.s32 @!p0 s5, $0x0  }
0x1f: {  	s9 =	smul.u32 $0xF7A, s1;
	s8 =	simm.s32 @!p0 $0x1BF5;
	p2 =	por !p2, p0  }
0x20: {  	[sflag:s8] =	ssyncset.s32 @!p0 $0xFFFFF086;
	s6 =	sadd.s32 @!p0 s3, s7;
	s7 =	simm.s32 @!p0 $0x108  }
0x21: {  	s3 =	sadd.s32 s3, s9;
	s6 =	sadd.s32 @!p0 $0x88, s6;
	s7 =	simm.s32 @p2 $0x1082  }
0x22: {  	[simem:s7], [sflag:s8] =	dma.local @!p0 [hbm:s6], $0xF7A  }
0x23: {  	s9 =	sor.u32 $0xD0000000, s2;
	s6 =	simm.s32 $0x108;
	_ =	swait.ge @!p0 [sflag:s8], $0x0  }
0x24: {  	s3 =	sadd.s32 $0x88, s3;
	s6 =	simm.s32 @!p1 $0x1082;
	[sflag:s4] =	ssyncset.s32 $0xFFFFF086  }
0x25: {  	[simem:s6], [sflag:s4] =	dma.local [hbm:s3], $0xF7A  }
0x26: {  	[smem:$0x3F87] =	sst s1;
	(tag) =	ssettag s2;
	_ =	strace s9  }
0x27: {  	s1 =	sld [smem:$0x3F97]  }
0x28: {  	s2 =	sld [smem:$0x3F98]  }
0x29: {  	s4 =	sld [smem:$0x3F9A]  }
0x2a: {  	p0 =	seq.s32 s5, $0x0;
	s5 =	sld [smem:$0x3F9B]  }
0x2b: {  	s6 =	sld [smem:$0x3F9C]  }
0x2c: {  	s7 =	sld [smem:$0x3F9D]  }
0x2d: {  	s3 =	simm.s32 $0x108;
	s8 =	sld [smem:$0x3F9E]  }
0x2e: {  	s3 =	simm.s32 @!p0 $0x1082;
	s9 =	sld [smem:$0x3F9F]  }
0x2f: {  	lr =	sadd.s32 s0, s3;
	s0 =	sld [smem:$0x3F96]  }
0x30: {  	s3 =	sld [smem:$0x3F99]  }
0x31: {  	[smem:$0x3FA2] =	sst s10  }
0x32: {  	s10 =	sld [smem:$0x3FA0];
	_ =	sdelay $0x3  }
0x33: {  	p0 =	seq.s32 s10, $0x1;
	s10 =	sld [smem:$0x3FA2];
	_ =	sdelay $0x3  }
0x34: {  	[smem:$0x3FA2] =	sst s10  }
0x35: {  	s10 =	sld [smem:$0x3FA1];
	_ =	sdelay $0x3  }
0x36: {  	p1 =	seq.s32 s10, $0x1;
	s10 =	sld [smem:$0x3FA2];
	_ =	sdelay $0x3  }
0x37: {  	[smem:$0x3FA2] =	sst s10  }
0x38: {  	s10 =	sld [smem:$0x3FA3]  }
0x39: {  	_ = 	snop;
	(pc) =	sbr.ind lr, $3  }
0x3a: {  	_ = 	snop  }
0x3b: {  	_ = 	snop  }
0x3c: {  	p2 =	seq.s32 s10, $0x1;
	s10 =	sld [smem:$0x3FA2]  }
0x3d: {  	_ =	shalt  }
0x3e: {  	_ =	shalt  }
0x3f: {  	_ =	shalt  }
0x40: {  	_ =	shalt  }
0x41: {  	_ =	shalt  }
0x42: {  	_ =	shalt  }
0x43: {  	_ =	shalt  }
0x44: {  	_ =	shalt  }
0x45: {  	_ =	shalt  }
0x46: {  	_ =	shalt  }
0x47: {  	_ =	shalt  }
0x48: {  	_ =	shalt  }
0x49: {  	_ =	shalt  }
0x4a: {  	_ =	shalt  }
0x4b: {  	_ =	shalt  }
0x4c: {  	_ =	shalt  }
0x4d: {  	_ =	shalt  }
0x4e: {  	_ =	shalt  }
0x4f: {  	_ =	shalt  }
0x50: {  	_ =	shalt  }
0x51: {  	_ =	shalt  }
0x52: {  	_ =	shalt  }
0x53: {  	_ =	shalt  }
0x54: {  	_ =	shalt  }
0x55: {  	_ =	shalt  }
0x56: {  	_ =	shalt  }
0x57: {  	_ =	shalt  }
0x58: {  	_ =	shalt  }
0x59: {  	_ =	shalt  }
0x5a: {  	_ =	shalt  }
0x5b: {  	_ =	shalt  }
0x5c: {  	_ =	shalt  }
0x5d: {  	_ =	shalt  }
0x5e: {  	_ =	shalt  }
0x5f: {  	_ =	shalt  }
0x60: {  	_ =	shalt  }
0x61: {  	_ =	shalt  }
0x62: {  	_ =	shalt  }
0x63: {  	_ =	shalt  }
0x64: {  	_ =	shalt  }
0x65: {  	_ =	shalt  }
0x66: {  	_ =	shalt  }
0x67: {  	_ =	shalt  }
0x68: {  	_ =	shalt  }
0x69: {  	_ =	shalt  }
0x6a: {  	_ =	shalt  }
0x6b: {  	_ =	shalt  }
0x6c: {  	_ =	shalt  }
0x6d: {  	_ =	shalt  }
0x6e: {  	_ =	shalt  }
0x6f: {  	_ =	shalt  }
0x70: {  	_ =	shalt  }
0x71: {  	_ =	shalt  }
0x72: {  	_ =	shalt  }
0x73: {  	_ =	shalt  }
0x74: {  	_ =	shalt  }
0x75: {  	_ =	shalt  }
0x76: {  	_ =	shalt  }
0x77: {  	_ =	shalt  }
0x78: {  	_ =	shalt  }
0x79: {  	_ =	shalt  }
0x7a: {  	_ =	shalt  }
0x7b: {  	_ =	shalt  }
0x7c: {  	_ =	shalt  }
0x7d: {  	_ =	shalt  }
0x7e: {  	_ =	shalt  }
0x7f: {  	_ =	shalt  }
0x80: {  	_ =	shalt  }
0x81: {  	_ =	shalt  }
0x82: {  	_ =	shalt  }
0x83: {  	_ =	shalt  }
0x84: {  	_ =	shalt  }
0x85: {  	_ =	shalt  }
0x86: {  	_ =	shalt  }
0x87: {  	_ =	shalt  }
.Lfunc_end0:
.L_simem_size_0:
called_computation.5_lowered:
.L_overlay_start_0:
0x88: {  	s2 =	sld [smem:$0x3FD9]  }
0x89: {  	s3 =	sld [smem:$0x3FFE];
	_ =	sdelay $0x1  }
0x8a: {  	s1 =	srdreg.scid  }
0x8b: {  	s0 =	sand.u32 $0x1, s1  }
0x8c: {  	s16 =	sshll.u32 s0, $0xA;
	s2 =	sadd.s32 s3, s2  }
0x8d: {  	s2 =	sadd.s32 s2, s16  }
0x8e: {  	[smem:$0x3FAE] =	sst s2  }
0x8f: {  	_ = 	snop  }
0x90: {  	(tm) =	ssettm $0x1  }
0x91: {  	s17 =	sld [smem:$0x3FFB];
	_ =	sdelay $0x3  }
0x92: {  	_ =	strace s17  }
0x93: {  	s2 =	sld [smem:$0x3FFC];
	_ =	sdelay $0x3  }
0x94: {  	_ =	strace s2  }
0x95: {  	s2 =	sld [smem:$0x3FFD];
	_ =	sdelay $0x3  }
0x96: {  	_ =	strace s2  }
0x97: {  	_ =	strace $0x8FFFFFFF  }
0x98: {  	s18 =	sld [smem:$0x3FDB];
	_ =	sdelay $0x1  }
0x99: {  	s19 =	simm.s32 $_scs_section_size  }
0x9a: {  	s4 =	simm.s32 $_size__tile_overlayer_lowered;
	s5 =	simm.s32 $_tile_overlayer_lowered  }
0x9b: {  	s22 =	simm.s32 $0x1BFF;
	s21 =	sshll.u32 s5, $0x1;
	s2 =	sadd.s32 s19, s18  }
0x9c: {  	s6 =	simm.s32 $0x0;
	s20 =	sshll.u32 s4, $0x1;
	s4 =	sadd.s32 s21, s2  }
0x9d: {  	[timem:s6], [sflag:s22] =	dma.local [hbm:s4], s20  }
0x9e: {  	_ =	swait.ge [sflag:s22], s20  }
0x9f: {  	s3 =	ssub.s32 $0x0, s20;
	[sflag:s22] =	ssyncset.done $0x0  }
0xa0: {  	[sflag:s22] =	ssyncadd.s32 s3;
	_ =	sdelay $0x1  }
0xa1: {  	s23 =	simm.s32 $0x1B8B  }
0xa2: {  	_ =	swait.ge [sflag:s23], $0x1  }
0xa3: {  	[sflag:s23] =	ssyncset.done $0x0  }
0xa4: {  	s25 =	simm.s32 $0x1B8E;
	s24 =	sld [smem:$0x3FFE];
	[sflag:s23] =	ssyncadd.s32 $0xFFFFFFFF  }
0xa5: {  	s26 =	simm.s32 $execute0_lowered;
	[smem:$0x3FD2] =	sst s25  }
0xa6: {  	s4 =	sshll.u32 s26, $0x1;
	_ =	strace $0x80000055;
	[dreg:$0x1] =	wrdreg $0xFFFFFFFF  }
0xa7: {  	s28 =	simm.s32 $_size_execute0_lowered;
	s2 =	sadd.s32 s2, s4;
	[dreg:$0x0] =	wrdreg $0x0  }
0xa8: {  	s4 =	sshll.u32 s28, $0x1;
	[dreg:$0x2] =	wrdreg s2  }
0xa9: {  	[dreg:$0x3] =	wrdreg s4  }
0xaa: {  	[dreg:$0x4] =	wrdreg $0xC0  }
0xab: {  	_ =	task [dreg:s6], $0x5FFFF  }
0xac: {  	[dreg:$0x1] =	wrdreg $0xFFFFFFFF  }
0xad: {  	[dreg:$0x0] =	wrdreg $0x60  }
0xae: {  	[dreg:$0x2] =	wrdreg s24  }
0xaf: {  	[dreg:$0x3] =	wrdreg $0x9  }
0xb0: {  	_ =	task.clear_ibuf [dreg:s6], $0x4FFFF;
	_ =	strace $0x90000055  }
0xb1: {  	s29 =	simm.s32 $0x9;
	_ =	strace $0x80000057  }
0xb2: {  	_ =	swait.ge [sflag:s29], $0x1  }
0xb3: {  	[sflag:s29] =	ssyncadd.s32 $0xFFFFFFFF  }
0xb4: {  	_ =	strace $0x90000057  }
0xb5: {  	_ =	sfence  }
0xb6: {  	s30 =	sld [smem:$0x0];
	_ =	sdelay $0x2  }
0xb7: {  	s31 =	sshll.u32 s1, $0xD;
	s1 =	sshrl.u32 s1, $0x2  }
0xb8: {  	s3 =	sand.u32 $0x4000, s31;
	s1 =	sadd.s32 s1, s30  }
0xb9: {  	s0 =	sor.u32 s3, s0;
	s1 =	sshll.u32 s1, $0x11  }
0xba: {  	s0 =	sor.u32 s1, s0  }
0xbb: {  	s0 =	sadd.s32 $0x8F2B, s0  }
0xbc: {  	[sflag:s0] =	ssyncadd.remote.s32 $0x1  }
0xbd: {  	_ =	sfence.sel $0xFFFF  }
0xbe: {  	[dreg:$0x0] =	wrdreg $0xFFFFFFFF;
	(pc) =	sbr.abs _section_cstart, $3  }
0xbf: {  	[dreg:$0x1] =	wrdreg $0xFFFFFFFF  }
0xc0: {  	_ =	task.clear_ibuf [dreg:s6], $0x2FFFF;
	_ =	strace $0x9FFFFFFF  }
0xc1: {  	(tm) =	ssettm $0x7FFFFFFF  }
tec
execute0_lowered:
.L_overlay_start_1:
0x0: {  	(tag) =	ssettag $0x1  }
0x1: {  	s1 =	srdreg.scid  }
0x2: {  	s0 =	stileid.u32;
	s6 =	sand.u32 $0x1, s1  }
0x3: {  	s8 =	rddreg [dreg:$0x0];
	s30 =	sshll.u32 s0, $0x8;
	s2 =	sshll.u32 s6, $0x7  }
0x4: {  	s7 =	simm.s32 $0x1;
	s1 =	rddreg [dreg:$0x1];
	s9 =	sor.u32 s2, s30  }
0x5: {  	s5 =	sadd.s32 $0x2AE00, s8;
	s2 =	simm.s32 $0x0;
	s3 =	sshrl.u32 s9, $0x3  }
0x6: {  	s10 =	ssub.s32 $0x2, s6;
	[smem:$0x7FF] =	sst s2;
	s3 =	sadd.s32 s3, s8  }
0x7: {  	_ =	strace $0x80000056;
	s4 =	sadd.s32 $0x2AC00, s3;
	s3 =	simm.s32 $0x2  }
0x8: {  	[tilespmem:s2], [sflag:$0x2] =	stream.linear.gather [hbm4b:s4+s2], $0x80, $0x38;
	[tilespmem:$0x10080] =	vst v63  }
0x9: {  	s6 =	simm.s32 $0x80;
	s11 =	sshrl.u32 s10, $0x1;
	_ =	swait.ge [sflag:s3], $0x80  }
0xa: {  	s9 =	sshll.u32 s9, $0x6;
	s31 =	ssub.s32 s10, s11;
	[sflag:s3] =	ssyncset.done $0x0  }
0xb: {  	s8 =	sadd.s32 s9, s8;
	s9 =	smax.u32 s31, $0x1;
	[sflag:s3] =	ssyncadd.s32 $0xFFFFFF80  }
0xc: {  	[tilespmem:s6], [sflag:$0x1] =	stream.indirect.gather [hbm4b:s5+s6], $0x200, s2, s6, $0xb8;
	[tilespmem:$0x10080] =	vst v63  }
0xd: {  	p0 =	sne.s32 s9, $0x1;
	_ =	swait.ge [sflag:s7], $0x10000  }
.Ltmp0:
0xe: {  	[sflag:s7] =	ssyncset.done $0x0;
	(pc) =	sbr.rel @!p0 .LBB2_2-.Ltmp0, $4  }
0xf: {  	s8 =	sadd.s32 $0x8AE00, s8;
	[sflag:s7] =	ssyncadd.s32 $0xFFFF0000  }
0x10: {  	[hbm4b:s8+s2] =	stream.linear.scatter [tilespmem:s6], [sflag:$0x2], $0x10000, $0x38;
	[tilespmem:$0x10080] =	vst v63  }
0x11: {  	_ =	swait.ge [sflag:s3], $0x10000  }
0x12: {  	s9 =	sadd.s32 $0xFFFFFFFF, s9;
	[sflag:s3] =	ssyncset.done $0x0  }
.LBB2_1:
0x13: {  	p0 =	sne.s32 s9, $0x1;
	s9 =	sadd.s32 $0xFFFFFFFF, s9;
	[sflag:s3] =	ssyncadd.s32 $0xFFFF0000  }
0x14: {  	[tilespmem:s2], [sflag:$0x2] =	stream.linear.gather [hbm4b:s4+s2], $0x80, $0x38;
	[tilespmem:$0x10080] =	vst v63  }
0x15: {  	_ =	swait.ge [sflag:s3], $0x80  }
0x16: {  	[sflag:s3] =	ssyncset.done $0x0  }
0x17: {  	[sflag:s3] =	ssyncadd.s32 $0xFFFFFF80  }
0x18: {  	[tilespmem:s6], [sflag:$0x1] =	stream.indirect.gather [hbm4b:s5+s6], $0x200, s2, s6, $0xb8;
	[tilespmem:$0x10080] =	vst v63  }
0x19: {  	_ =	swait.ge [sflag:s7], $0x10000  }
.Ltmp1:
0x1a: {  	[sflag:s7] =	ssyncset.done $0x0;
	(pc) =	sbr.rel @p0 .LBB2_1-.Ltmp1, $4  }
0x1b: {  	[sflag:s7] =	ssyncadd.s32 $0xFFFF0000  }
0x1c: {  	[hbm4b:s8+s2] =	stream.linear.scatter [tilespmem:s6], [sflag:$0x2], $0x10000, $0x38;
	[tilespmem:$0x10080] =	vst v63  }
0x1d: {  	_ =	swait.ge [sflag:s3], $0x10000  }
0x1e: {  	[sflag:s3] =	ssyncset.done $0x0  }
.LBB2_2:
0x1f: {  	[sflag:s3] =	ssyncadd.s32 $0xFFFF0000  }
0x20: {  	_ =	sfence.sel $0x180000  }
0x21: {  	[bflag:$0x0] =	sbarrier.arrive $0xFFFF  }
0x22: {  	p0 =	sne.s32 s0, $0x0;
	_ =	strace $0x90000056  }
0x23: {  	s0 =	sadd.s32 @!p0 $0x100000, s1;
	[bflag:$0x2] =	sbarrier.arrive $0xFFFF  }
0x24: {  	[sflag:s0] =	ssyncadd.tile.s32 @!p0 $0x1;
	_ =	shalt  }
.Lfunc_end2:
_tile_overlayer_lowered:
.L_overlay_start_2:
0x25: {  	(tag) =	ssettag $0x2  }
0x26: {  	s0 =	rddreg [dreg:$0x0];
	s2 =	stileid.u32  }
0x27: {  	s1 =	rddreg [dreg:$0x1];
	p0 =	sne.s32 s2, $0x0  }
0x28: {  	s3 =	rddreg [dreg:$0x2];
	[bflag:$0x3] =	sbarrier.arrive $0xFFFF;
	s2 =	simm.s32 @!p0 $0x1C02  }
0x29: {  	[timem:s3], [sflag:s2] =	dma.local @!p0 [hbm:s0], s1  }
0x2a: {  	s0 =	simm.s32 @!p0 $0x2  }
0x2b: {  	_ =	swait.ge @!p0 [sflag:s0], s1  }
0x2c: {  	s1 =	ssub.s32 @!p0 $0x0, s1;
	[sflag:s0] =	ssyncset.done @!p0 $0x0  }
0x2d: {  	[sflag:s0] =	ssyncadd.s32 @!p0 s1  }
0x2e: {  	[bflag:$0x3] =	sbarrier.arrive $0xFFFF  }
0x2f: {  	_ =	shalt  }

</sc_bundles>
